<compile_context>
chip_gen: v7x
topology: tpu7x:2x2x1
jax: 0.10.2.dev20260603
libtpu: 0.0.44.dev20260713+nightly
codegen_flags: <defaults>
</compile_context>

<pallas_src>
import functools

import jax
import jax.numpy as jnp
from jax import lax
from jax.experimental import pallas as pl
from jax.experimental.pallas import tpu as pltpu
from jax.experimental.pallas import tpu_sc as plsc

_DIM = 64
_NUM_WORKERS = 32
_W = 256
_NBUF = 3


def kernel(token_ids, E):
    B, L = token_ids.shape
    n = B * L
    tok = token_ids.reshape(n).astype(jnp.int32)

    b_per_w = n // _NUM_WORKERS
    n_windows = b_per_w // _W
    mesh = plsc.VectorSubcoreMesh(core_axis_name="c", subcore_axis_name="s")

    @functools.partial(
        pl.kernel,
        mesh=mesh,
        out_type=jax.ShapeDtypeStruct((n // 2, 2 * _DIM), jnp.float32),
        scratch_types=(
            [pltpu.VMEM((b_per_w,), jnp.int32)]
            + [pltpu.VMEM((_W, _DIM), jnp.float32) for _ in range(_NBUF)]
            + [pltpu.VMEM((_W // 2, 2 * _DIM), jnp.float32) for _ in range(_NBUF)]
            + [pltpu.SemaphoreType.DMA for _ in range(2 * _NBUF)]
        ),
        compiler_params=pltpu.CompilerParams(use_tc_tiling_on_sc=False),
    )
    def gather_kernel(table_hbm, tok_hbm, out_hbm, *scratch):
        tok_all = scratch[0]
        rows = scratch[1:1 + _NBUF]
        outd = scratch[1 + _NBUF:1 + 2 * _NBUF]
        sg = scratch[1 + 2 * _NBUF:1 + 3 * _NBUF]
        so = scratch[1 + 3 * _NBUF:1 + 4 * _NBUF]

        wid = lax.axis_index("s") * 2 + lax.axis_index("c")
        base = wid * b_per_w

        pltpu.sync_copy(
            tok_hbm.at[pl.ds(pl.multiple_of(base, b_per_w), b_per_w)], tok_all
        )

        def start(g, b):
            pltpu.async_copy(
                table_hbm.at[tok_all.at[pl.ds(pl.multiple_of(g * _W, _W), _W)]],
                rows[b], sg[b]
            )

        def finish(g, b):
            off2 = pl.multiple_of((base + g * _W) // 2, _W // 2)
            pltpu.make_async_copy(
                table_hbm.at[tok_all.at[pl.ds(pl.multiple_of(g * _W, _W), _W)]],
                rows[b], sg[b]
            ).wait()

            @pl.when(g >= _NBUF)
            def _():
                pltpu.make_async_copy(
                    outd[b], out_hbm.at[pl.ds(0, _W // 2)], so[b]
                ).wait()

            @pl.loop(0, _W // 2)
            def _(j):
                w = j * 2
                for c in range(0, _DIM, 16):
                    outd[b][j, pl.ds(c, 16)] = rows[b][w, pl.ds(c, 16)]
                for c in range(0, _DIM, 16):
                    outd[b][j, pl.ds(_DIM + c, 16)] = rows[b][w + 1, pl.ds(c, 16)]

            pltpu.async_copy(outd[b], out_hbm.at[pl.ds(off2, _W // 2)], so[b])

        for b in range(_NBUF):
            start(b, b)

        @pl.loop(0, n_windows, step=_NBUF)
        def _(g):
            for d in range(_NBUF):
                @pl.when(g + d < n_windows)
                def _():
                    finish(g + d, d)

                @pl.when(g + d + _NBUF < n_windows)
                def _():
                    start(g + d + _NBUF, d)

        for b in range(_NBUF):
            pltpu.make_async_copy(
                outd[b], out_hbm.at[pl.ds(0, _W // 2)], so[b]
            ).wait()

    out2 = gather_kernel(E, tok)
    return out2.reshape(B, L, _DIM)

# --- scband reference (transcript-rebuilt; emitter-appended) ---
"""Pipeline reference for scband-embedding-71098888618014 (READ-ONLY COPY).

The authoritative reference and input builder live on the scoring server;
editing this copy changes nothing except your own understanding.
"""

import jax, jax.numpy as jnp
import numpy as np

NUM_EMBEDDINGS = 1000000
EMBEDDING_DIM = 64

def setup_inputs(seed: int = 0) -> dict:
    key = jax.random.key(seed)
    k_idx, k_E = jax.random.split(key)
    token_ids = jax.random.randint(k_idx, (16384, 50), 0, NUM_EMBEDDINGS, dtype=jnp.int64 if jax.config.jax_enable_x64 else jnp.int32)
    # trunc_normal_(mean=0, std=1, a=-3, b=3)
    E = jax.random.truncated_normal(k_E, -3.0, 3.0, (NUM_EMBEDDINGS, EMBEDDING_DIM), dtype=jnp.float32)
    return {"token_ids": token_ids, "E": E}

def reference(token_ids, E):
    # Embedding lookup: E[token_ids] -> [B, L, D]
    return jnp.take(E, token_ids, axis=0)

if __name__ == "__main__":
    import jax
    _d = setup_inputs()
    print(jax.jit(kernel)(*tuple(_d.values())))

</pallas_src>

<mosaic_0001>
#map = affine_map<(d0, d1) -> (0, 0)>
#map1 = affine_map<(d0, d1) -> (0)>
module attributes {stable_mosaic.version = 14 : i64} {
  func.func @gather_kernel(%arg0: i32, %arg1: i32, %arg2: memref<1000000x64xf32, #tpu.memory_space<hbm>>, %arg3: memref<819200xi32, #tpu.memory_space<hbm>>, %arg4: memref<409600x128xf32, #tpu.memory_space<hbm>>, %arg5: memref<25600xi32, #tpu.memory_space<vmem>>, %arg6: memref<256x64xf32, #tpu.memory_space<vmem>>, %arg7: memref<256x64xf32, #tpu.memory_space<vmem>>, %arg8: memref<256x64xf32, #tpu.memory_space<vmem>>, %arg9: memref<128x128xf32, #tpu.memory_space<vmem>>, %arg10: memref<128x128xf32, #tpu.memory_space<vmem>>, %arg11: memref<128x128xf32, #tpu.memory_space<vmem>>, %arg12: memref<!tpu.dma_semaphore, #tpu.memory_space<semaphore_mem>>, %arg13: memref<!tpu.dma_semaphore, #tpu.memory_space<semaphore_mem>>, %arg14: memref<!tpu.dma_semaphore, #tpu.memory_space<semaphore_mem>>, %arg15: memref<!tpu.dma_semaphore, #tpu.memory_space<semaphore_mem>>, %arg16: memref<!tpu.dma_semaphore, #tpu.memory_space<semaphore_mem>>, %arg17: memref<!tpu.dma_semaphore, #tpu.memory_space<semaphore_mem>>) attributes {dimension_semantics = [#tpu.dimension_semantics<core_parallel>, #tpu.dimension_semantics<subcore_parallel>], iteration_bounds = array<i64: 2, 16>, scalar_prefetch = 0 : i64, scratch_operands = 13 : i64, tpu.core_type = #tpu.core_type<sc_vector_subcore>, window_params = [{transform_indices = #map}, {transform_indices = #map1}, {transform_indices = #map}]} {
    %mul3A = arith.constant 2 : i32
    %mul3A_0 = arith.muli %arg1, %mul3A : i32
    %add3A = arith.addi %mul3A_0, %arg0 : i32
    %mul3A_1 = arith.constant 25600 : i32
    %mul3A_2 = arith.muli %add3A, %mul3A_1 : i32
    %multiple_of3A = tpu.assume_multiple %mul3A_2, 25600 : i32
    "tpu.region"() ({
      %run_scoped3A = tpu.sem_alloc : memref<!tpu.dma_semaphore, #tpu.memory_space<semaphore_mem>>
      %dma_start3A_41 = tpu.memref_slice %arg3[%multiple_of3A] : memref<819200xi32, #tpu.memory_space<hbm>> -> memref<25600xi32, #tpu.memory_space<hbm>>
      %dma_start3A_42 = tpu.memref_slice %arg3[%multiple_of3A] : memref<819200xi32, #tpu.memory_space<hbm>> -> memref<25600xi32, #tpu.memory_space<hbm>>
      tpu.enqueue_dma source(%dma_start3A_42 : memref<25600xi32, #tpu.memory_space<hbm>>) target(%arg5 : memref<25600xi32, #tpu.memory_space<vmem>>) target_semaphore(%run_scoped3A : memref<!tpu.dma_semaphore, #tpu.memory_space<semaphore_mem>>)
      %dma_wait3A_43 = tpu.memref_slice %arg3[%multiple_of3A] : memref<819200xi32, #tpu.memory_space<hbm>> -> memref<25600xi32, #tpu.memory_space<hbm>>
      %dma_wait3A_44 = tpu.memref_slice %arg3[%multiple_of3A] : memref<819200xi32, #tpu.memory_space<hbm>> -> memref<25600xi32, #tpu.memory_space<hbm>>
      tpu.wait_dma2 semaphore(%run_scoped3A : memref<!tpu.dma_semaphore, #tpu.memory_space<semaphore_mem>>) src(%dma_wait3A_44 : memref<25600xi32, #tpu.memory_space<hbm>>) dst(%arg5 : memref<25600xi32, #tpu.memory_space<vmem>>)
      tpu.yield
    }) : () -> ()
    %multiple_of3A_3 = arith.constant 0 : i32
    %multiple_of3A_4 = tpu.assume_multiple %multiple_of3A_3, 256 : i32
    %dma_start3A = tpu.memref_slice %arg5[%multiple_of3A_4] : memref<25600xi32, #tpu.memory_space<vmem>> -> memref<256xi32, #tpu.memory_space<vmem>>
    %dma_start3A_5 = arith.constant 0 : i32
    %dma_start3A_6 = arith.constant 0 : i32
    %dma_start3A_7 = tpu.memref_slice %arg2[%dma_start3A_5, %dma_start3A_6] : memref<1000000x64xf32, #tpu.memory_space<hbm>> -> memref<1000000x64xf32, #tpu.memory_space<hbm>>
    tpu.enqueue_indirect_dma source(%dma_start3A_7 : memref<1000000x64xf32, #tpu.memory_space<hbm>>) target(%arg6 : memref<256x64xf32, #tpu.memory_space<vmem>>) offsets(%dma_start3A : memref<256xi32, #tpu.memory_space<vmem>>) semaphore(%arg12 : memref<!tpu.dma_semaphore, #tpu.memory_space<semaphore_mem>>)
    %multiple_of3A_8 = arith.constant 256 : i32
    %multiple_of3A_9 = tpu.assume_multiple %multiple_of3A_8, 256 : i32
    %dma_start3A_10 = tpu.memref_slice %arg5[%multiple_of3A_9] : memref<25600xi32, #tpu.memory_space<vmem>> -> memref<256xi32, #tpu.memory_space<vmem>>
    %dma_start3A_11 = arith.constant 0 : i32
    %dma_start3A_12 = arith.constant 0 : i32
    %dma_start3A_13 = tpu.memref_slice %arg2[%dma_start3A_11, %dma_start3A_12] : memref<1000000x64xf32, #tpu.memory_space<hbm>> -> memref<1000000x64xf32, #tpu.memory_space<hbm>>
    tpu.enqueue_indirect_dma source(%dma_start3A_13 : memref<1000000x64xf32, #tpu.memory_space<hbm>>) target(%arg7 : memref<256x64xf32, #tpu.memory_space<vmem>>) offsets(%dma_start3A_10 : memref<256xi32, #tpu.memory_space<vmem>>) semaphore(%arg13 : memref<!tpu.dma_semaphore, #tpu.memory_space<semaphore_mem>>)
    %multiple_of3A_14 = arith.constant 512 : i32
    %multiple_of3A_15 = tpu.assume_multiple %multiple_of3A_14, 256 : i32
    %dma_start3A_16 = tpu.memref_slice %arg5[%multiple_of3A_15] : memref<25600xi32, #tpu.memory_space<vmem>> -> memref<256xi32, #tpu.memory_space<vmem>>
    %dma_start3A_17 = arith.constant 0 : i32
    %dma_start3A_18 = arith.constant 0 : i32
    %dma_start3A_19 = tpu.memref_slice %arg2[%dma_start3A_17, %dma_start3A_18] : memref<1000000x64xf32, #tpu.memory_space<hbm>> -> memref<1000000x64xf32, #tpu.memory_space<hbm>>
    tpu.enqueue_indirect_dma source(%dma_start3A_19 : memref<1000000x64xf32, #tpu.memory_space<hbm>>) target(%arg8 : memref<256x64xf32, #tpu.memory_space<vmem>>) offsets(%dma_start3A_16 : memref<256xi32, #tpu.memory_space<vmem>>) semaphore(%arg14 : memref<!tpu.dma_semaphore, #tpu.memory_space<semaphore_mem>>)
    %scan3A = arith.constant 0 : i32
    %scan3A_20 = arith.constant 34 : i32
    %scan3A_21 = arith.addi %scan3A, %scan3A_20 : i32
    %scan3A_22 = arith.constant 1 : i32
    scf.for %scan3A_41 = %scan3A to %scan3A_21 step %scan3A_22  : i32 {
      %mul3A_42 = arith.constant 3 : i32
      %mul3A_43 = arith.muli %scan3A_41, %mul3A_42 : i32
      %add3A_44 = arith.constant 0 : i32
      %add3A_45 = arith.addi %add3A_44, %mul3A_43 : i32
      %add3A_46 = arith.constant 0 : i32
      %add3A_47 = arith.addi %add3A_45, %add3A_46 : i32
      %lt3A = arith.constant 100 : i32
      %lt3A_48 = arith.cmpi slt, %add3A_47, %lt3A : i32
      %convert_element_type3A = arith.extui %lt3A_48 : i1 to i32
      %cond3A = arith.constant 0 : i32
      %cond3A_49 = arith.cmpi ne, %convert_element_type3A, %cond3A : i32
      scf.if %cond3A_49 {
        %add3A_91 = arith.constant 0 : i32
        %add3A_92 = arith.addi %add3A_45, %add3A_91 : i32
        %mul3A_93 = arith.constant 256 : i32
        %mul3A_94 = arith.muli %add3A_92, %mul3A_93 : i32
        %add3A_95 = arith.addi %mul3A_2, %mul3A_94 : i32
        %jit3A = arith.constant 2 : i32
        %div3A = arith.divsi %add3A_95, %jit3A : i32
        %sign3A = arith.constant 0 : i32
        %sign3A_96 = arith.cmpi sgt, %add3A_95, %sign3A : i32
        %sign3A_97 = arith.extui %sign3A_96 : i1 to i32
        %sign3A_98 = arith.constant 0 : i32
        %sign3A_99 = arith.cmpi slt, %add3A_95, %sign3A_98 : i32
        %sign3A_100 = arith.extui %sign3A_99 : i1 to i32
        %sign3A_101 = arith.subi %sign3A_97, %sign3A_100 : i32
        %sign3A_102 = arith.constant 0 : i32
        %sign3A_103 = arith.cmpi sgt, %jit3A, %sign3A_102 : i32
        %sign3A_104 = arith.extui %sign3A_103 : i1 to i32
        %sign3A_105 = arith.constant 0 : i32
        %sign3A_106 = arith.cmpi slt, %jit3A, %sign3A_105 : i32
        %sign3A_107 = arith.extui %sign3A_106 : i1 to i32
        %sign3A_108 = arith.subi %sign3A_104, %sign3A_107 : i32
        %ne3A = arith.cmpi ne, %sign3A_101, %sign3A_108 : i32
        %rem3A = arith.remsi %add3A_95, %jit3A : i32
        %ne3A_109 = arith.constant 0 : i32
        %ne3A_110 = arith.cmpi ne, %rem3A, %ne3A_109 : i32
        %and3A = arith.andi %ne3A, %ne3A_110 : i1
        %sub3A = arith.constant 1 : i32
        %sub3A_111 = arith.subi %div3A, %sub3A : i32
        %select_n3A = arith.select %and3A, %sub3A_111, %div3A : i32
        %multiple_of3A_112 = tpu.assume_multiple %select_n3A, 128 : i32
        %mul3A_113 = arith.constant 256 : i32
        %mul3A_114 = arith.muli %add3A_92, %mul3A_113 : i32
        %multiple_of3A_115 = tpu.assume_multiple %mul3A_114, 256 : i32
        %dma_wait3A_116 = tpu.memref_slice %arg5[%multiple_of3A_115] : memref<25600xi32, #tpu.memory_space<vmem>> -> memref<256xi32, #tpu.memory_space<vmem>>
        %dma_wait3A_117 = arith.constant 0 : i32
        %dma_wait3A_118 = arith.constant 0 : i32
        %dma_wait3A_119 = tpu.memref_slice %arg2[%dma_wait3A_117, %dma_wait3A_118] : memref<1000000x64xf32, #tpu.memory_space<hbm>> -> memref<1000000x64xf32, #tpu.memory_space<hbm>>
        tpu.wait_indirect_dma semaphore(%arg12 : memref<!tpu.dma_semaphore, #tpu.memory_space<semaphore_mem>>) src(%dma_wait3A_119 : memref<1000000x64xf32, #tpu.memory_space<hbm>>) dst(%arg6 : memref<256x64xf32, #tpu.memory_space<vmem>>)
        %ge3A = arith.constant 3 : i32
        %ge3A_120 = arith.cmpi sge, %add3A_92, %ge3A : i32
        %convert_element_type3A_121 = arith.extui %ge3A_120 : i1 to i32
        %cond3A_122 = arith.constant 0 : i32
        %cond3A_123 = arith.cmpi ne, %convert_element_type3A_121, %cond3A_122 : i32
        scf.if %cond3A_123 {
          %dma_wait3A_133 = arith.constant 0 : i32
          %dma_wait3A_134 = arith.constant 0 : i32
          %dma_wait3A_135 = tpu.memref_slice %arg4[%dma_wait3A_133, %dma_wait3A_134] : memref<409600x128xf32, #tpu.memory_space<hbm>> -> memref<128x128xf32, #tpu.memory_space<hbm>>
          %dma_wait3A_136 = arith.constant 0 : i32
          %dma_wait3A_137 = arith.constant 0 : i32
          %dma_wait3A_138 = tpu.memref_slice %arg4[%dma_wait3A_136, %dma_wait3A_137] : memref<409600x128xf32, #tpu.memory_space<hbm>> -> memref<128x128xf32, #tpu.memory_space<hbm>>
          tpu.wait_dma2 semaphore(%arg15 : memref<!tpu.dma_semaphore, #tpu.memory_space<semaphore_mem>>) src(%arg9 : memref<128x128xf32, #tpu.memory_space<vmem>>) dst(%dma_wait3A_138 : memref<128x128xf32, #tpu.memory_space<hbm>>)
        } else {
        }
        %scan3A_124 = arith.constant 0 : i32
        %scan3A_125 = arith.constant 128 : i32
        %scan3A_126 = arith.addi %scan3A_124, %scan3A_125 : i32
        %scan3A_127 = arith.constant 1 : i32
        scf.for %scan3A_133 = %scan3A_124 to %scan3A_126 step %scan3A_127  : i32 {
          %mul3A_134 = arith.constant 1 : i32
          %mul3A_135 = arith.muli %scan3A_133, %mul3A_134 : i32
          %add3A_136 = arith.constant 0 : i32
          %add3A_137 = arith.addi %add3A_136, %mul3A_135 : i32
          %mul3A_138 = arith.constant 2 : i32
          %mul3A_139 = arith.muli %add3A_137, %mul3A_138 : i32
          %get3A = arith.index_cast %mul3A_139 : i32 to index
          %get3A_140 = arith.constant 0 : index
          %get3A_141 = tpu.vector_load %arg6[%get3A, %get3A_140] {strides = array<i32>} : memref<256x64xf32, #tpu.memory_space<vmem>>, vector<1x16xf32>,
          %get3A_142 = vector.shape_cast %get3A_141 : vector<1x16xf32> to vector<16xf32>
          %swap3A = arith.index_cast %add3A_137 : i32 to index
          %swap3A_143 = arith.constant 0 : index
          %swap3A_144 = tpu.vector_load %arg9[%swap3A, %swap3A_143] {strides = array<i32>} : memref<128x128xf32, #tpu.memory_space<vmem>>, vector<1x16xf32>,
          %swap3A_145 = vector.shape_cast %swap3A_144 : vector<1x16xf32> to vector<16xf32>
          %swap3A_146 = vector.shape_cast %get3A_142 : vector<16xf32> to vector<1x16xf32>
          tpu.vector_store %arg9[%swap3A, %swap3A_143], %swap3A_146 {strides = array<i32>} : memref<128x128xf32, #tpu.memory_space<vmem>>, vector<1x16xf32>,
          %get3A_147 = arith.index_cast %mul3A_139 : i32 to index
          %get3A_148 = arith.constant 16 : index
          %get3A_149 = tpu.vector_load %arg6[%get3A_147, %get3A_148] {strides = array<i32>} : memref<256x64xf32, #tpu.memory_space<vmem>>, vector<1x16xf32>,
          %get3A_150 = vector.shape_cast %get3A_149 : vector<1x16xf32> to vector<16xf32>
          %swap3A_151 = arith.index_cast %add3A_137 : i32 to index
          %swap3A_152 = arith.constant 16 : index
          %swap3A_153 = tpu.vector_load %arg9[%swap3A_151, %swap3A_152] {strides = array<i32>} : memref<128x128xf32, #tpu.memory_space<vmem>>, vector<1x16xf32>,
          %swap3A_154 = vector.shape_cast %swap3A_153 : vector<1x16xf32> to vector<16xf32>
          %swap3A_155 = vector.shape_cast %get3A_150 : vector<16xf32> to vector<1x16xf32>
          tpu.vector_store %arg9[%swap3A_151, %swap3A_152], %swap3A_155 {strides = array<i32>} : memref<128x128xf32, #tpu.memory_space<vmem>>, vector<1x16xf32>,
          %get3A_156 = arith.index_cast %mul3A_139 : i32 to index
          %get3A_157 = arith.constant 32 : index
          %get3A_158 = tpu.vector_load %arg6[%get3A_156, %get3A_157] {strides = array<i32>} : memref<256x64xf32, #tpu.memory_space<vmem>>, vector<1x16xf32>,
          %get3A_159 = vector.shape_cast %get3A_158 : vector<1x16xf32> to vector<16xf32>
          %swap3A_160 = arith.index_cast %add3A_137 : i32 to index
          %swap3A_161 = arith.constant 32 : index
          %swap3A_162 = tpu.vector_load %arg9[%swap3A_160, %swap3A_161] {strides = array<i32>} : memref<128x128xf32, #tpu.memory_space<vmem>>, vector<1x16xf32>,
          %swap3A_163 = vector.shape_cast %swap3A_162 : vector<1x16xf32> to vector<16xf32>
          %swap3A_164 = vector.shape_cast %get3A_159 : vector<16xf32> to vector<1x16xf32>
          tpu.vector_store %arg9[%swap3A_160, %swap3A_161], %swap3A_164 {strides = array<i32>} : memref<128x128xf32, #tpu.memory_space<vmem>>, vector<1x16xf32>,
          %get3A_165 = arith.index_cast %mul3A_139 : i32 to index
          %get3A_166 = arith.constant 48 : index
          %get3A_167 = tpu.vector_load %arg6[%get3A_165, %get3A_166] {strides = array<i32>} : memref<256x64xf32, #tpu.memory_space<vmem>>, vector<1x16xf32>,
          %get3A_168 = vector.shape_cast %get3A_167 : vector<1x16xf32> to vector<16xf32>
          %swap3A_169 = arith.index_cast %add3A_137 : i32 to index
          %swap3A_170 = arith.constant 48 : index
          %swap3A_171 = tpu.vector_load %arg9[%swap3A_169, %swap3A_170] {strides = array<i32>} : memref<128x128xf32, #tpu.memory_space<vmem>>, vector<1x16xf32>,
          %swap3A_172 = vector.shape_cast %swap3A_171 : vector<1x16xf32> to vector<16xf32>
          %swap3A_173 = vector.shape_cast %get3A_168 : vector<16xf32> to vector<1x16xf32>
          tpu.vector_store %arg9[%swap3A_169, %swap3A_170], %swap3A_173 {strides = array<i32>} : memref<128x128xf32, #tpu.memory_space<vmem>>, vector<1x16xf32>,
          %add3A_174 = arith.constant 1 : i32
          %add3A_175 = arith.addi %mul3A_139, %add3A_174 : i32
          %get3A_176 = arith.index_cast %add3A_175 : i32 to index
          %get3A_177 = arith.constant 0 : index
          %get3A_178 = tpu.vector_load %arg6[%get3A_176, %get3A_177] {strides = array<i32>} : memref<256x64xf32, #tpu.memory_space<vmem>>, vector<1x16xf32>,
          %get3A_179 = vector.shape_cast %get3A_178 : vector<1x16xf32> to vector<16xf32>
          %swap3A_180 = arith.index_cast %add3A_137 : i32 to index
          %swap3A_181 = arith.constant 64 : index
          %swap3A_182 = tpu.vector_load %arg9[%swap3A_180, %swap3A_181] {strides = array<i32>} : memref<128x128xf32, #tpu.memory_space<vmem>>, vector<1x16xf32>,
          %swap3A_183 = vector.shape_cast %swap3A_182 : vector<1x16xf32> to vector<16xf32>
          %swap3A_184 = vector.shape_cast %get3A_179 : vector<16xf32> to vector<1x16xf32>
          tpu.vector_store %arg9[%swap3A_180, %swap3A_181], %swap3A_184 {strides = array<i32>} : memref<128x128xf32, #tpu.memory_space<vmem>>, vector<1x16xf32>,
          %add3A_185 = arith.constant 1 : i32
          %add3A_186 = arith.addi %mul3A_139, %add3A_185 : i32
          %get3A_187 = arith.index_cast %add3A_186 : i32 to index
          %get3A_188 = arith.constant 16 : index
          %get3A_189 = tpu.vector_load %arg6[%get3A_187, %get3A_188] {strides = array<i32>} : memref<256x64xf32, #tpu.memory_space<vmem>>, vector<1x16xf32>,
          %get3A_190 = vector.shape_cast %get3A_189 : vector<1x16xf32> to vector<16xf32>
          %swap3A_191 = arith.index_cast %add3A_137 : i32 to index
          %swap3A_192 = arith.constant 80 : index
          %swap3A_193 = tpu.vector_load %arg9[%swap3A_191, %swap3A_192] {strides = array<i32>} : memref<128x128xf32, #tpu.memory_space<vmem>>, vector<1x16xf32>,
          %swap3A_194 = vector.shape_cast %swap3A_193 : vector<1x16xf32> to vector<16xf32>
          %swap3A_195 = vector.shape_cast %get3A_190 : vector<16xf32> to vector<1x16xf32>
          tpu.vector_store %arg9[%swap3A_191, %swap3A_192], %swap3A_195 {strides = array<i32>} : memref<128x128xf32, #tpu.memory_space<vmem>>, vector<1x16xf32>,
          %add3A_196 = arith.constant 1 : i32
          %add3A_197 = arith.addi %mul3A_139, %add3A_196 : i32
          %get3A_198 = arith.index_cast %add3A_197 : i32 to index
          %get3A_199 = arith.constant 32 : index
          %get3A_200 = tpu.vector_load %arg6[%get3A_198, %get3A_199] {strides = array<i32>} : memref<256x64xf32, #tpu.memory_space<vmem>>, vector<1x16xf32>,
          %get3A_201 = vector.shape_cast %get3A_200 : vector<1x16xf32> to vector<16xf32>
          %swap3A_202 = arith.index_cast %add3A_137 : i32 to index
          %swap3A_203 = arith.constant 96 : index
          %swap3A_204 = tpu.vector_load %arg9[%swap3A_202, %swap3A_203] {strides = array<i32>} : memref<128x128xf32, #tpu.memory_space<vmem>>, vector<1x16xf32>,
          %swap3A_205 = vector.shape_cast %swap3A_204 : vector<1x16xf32> to vector<16xf32>
          %swap3A_206 = vector.shape_cast %get3A_201 : vector<16xf32> to vector<1x16xf32>
          tpu.vector_store %arg9[%swap3A_202, %swap3A_203], %swap3A_206 {strides = array<i32>} : memref<128x128xf32, #tpu.memory_space<vmem>>, vector<1x16xf32>,
          %add3A_207 = arith.constant 1 : i32
          %add3A_208 = arith.addi %mul3A_139, %add3A_207 : i32
          %get3A_209 = arith.index_cast %add3A_208 : i32 to index
          %get3A_210 = arith.constant 48 : index
          %get3A_211 = tpu.vector_load %arg6[%get3A_209, %get3A_210] {strides = array<i32>} : memref<256x64xf32, #tpu.memory_space<vmem>>, vector<1x16xf32>,
          %get3A_212 = vector.shape_cast %get3A_211 : vector<1x16xf32> to vector<16xf32>
          %swap3A_213 = arith.index_cast %add3A_137 : i32 to index
          %swap3A_214 = arith.constant 112 : index
          %swap3A_215 = tpu.vector_load %arg9[%swap3A_213, %swap3A_214] {strides = array<i32>} : memref<128x128xf32, #tpu.memory_space<vmem>>, vector<1x16xf32>,
          %swap3A_216 = vector.shape_cast %swap3A_215 : vector<1x16xf32> to vector<16xf32>
          %swap3A_217 = vector.shape_cast %get3A_212 : vector<16xf32> to vector<1x16xf32>
          tpu.vector_store %arg9[%swap3A_213, %swap3A_214], %swap3A_217 {strides = array<i32>} : memref<128x128xf32, #tpu.memory_space<vmem>>, vector<1x16xf32>,
        }
        %scan3A_128 = arith.constant 128 : i32
        %dma_start3A_129 = arith.constant 0 : i32
        %dma_start3A_130 = tpu.memref_slice %arg4[%multiple_of3A_112, %dma_start3A_129] : memref<409600x128xf32, #tpu.memory_space<hbm>> -> memref<128x128xf32, #tpu.memory_space<hbm>>
        %dma_start3A_131 = arith.constant 0 : i32
        %dma_start3A_132 = tpu.memref_slice %arg4[%multiple_of3A_112, %dma_start3A_131] : memref<409600x128xf32, #tpu.memory_space<hbm>> -> memref<128x128xf32, #tpu.memory_space<hbm>>
        tpu.enqueue_dma source(%arg9 : memref<128x128xf32, #tpu.memory_space<vmem>>) target(%dma_start3A_132 : memref<128x128xf32, #tpu.memory_space<hbm>>) target_semaphore(%arg15 : memref<!tpu.dma_semaphore, #tpu.memory_space<semaphore_mem>>)
      } else {
      }
      %add3A_50 = arith.constant 0 : i32
      %add3A_51 = arith.addi %add3A_45, %add3A_50 : i32
      %add3A_52 = arith.constant 3 : i32
      %add3A_53 = arith.addi %add3A_51, %add3A_52 : i32
      %lt3A_54 = arith.constant 100 : i32
      %lt3A_55 = arith.cmpi slt, %add3A_53, %lt3A_54 : i32
      %convert_element_type3A_56 = arith.extui %lt3A_55 : i1 to i32
      %cond3A_57 = arith.constant 0 : i32
      %cond3A_58 = arith.cmpi ne, %convert_element_type3A_56, %cond3A_57 : i32
      scf.if %cond3A_58 {
        %add3A_91 = arith.constant 0 : i32
        %add3A_92 = arith.addi %add3A_45, %add3A_91 : i32
        %add3A_93 = arith.constant 3 : i32
        %add3A_94 = arith.addi %add3A_92, %add3A_93 : i32
        %mul3A_95 = arith.constant 256 : i32
        %mul3A_96 = arith.muli %add3A_94, %mul3A_95 : i32
        %multiple_of3A_97 = tpu.assume_multiple %mul3A_96, 256 : i32
        %dma_start3A_98 = tpu.memref_slice %arg5[%multiple_of3A_97] : memref<25600xi32, #tpu.memory_space<vmem>> -> memref<256xi32, #tpu.memory_space<vmem>>
        %dma_start3A_99 = arith.constant 0 : i32
        %dma_start3A_100 = arith.constant 0 : i32
        %dma_start3A_101 = tpu.memref_slice %arg2[%dma_start3A_99, %dma_start3A_100] : memref<1000000x64xf32, #tpu.memory_space<hbm>> -> memref<1000000x64xf32, #tpu.memory_space<hbm>>
        tpu.enqueue_indirect_dma source(%dma_start3A_101 : memref<1000000x64xf32, #tpu.memory_space<hbm>>) target(%arg6 : memref<256x64xf32, #tpu.memory_space<vmem>>) offsets(%dma_start3A_98 : memref<256xi32, #tpu.memory_space<vmem>>) semaphore(%arg12 : memref<!tpu.dma_semaphore, #tpu.memory_space<semaphore_mem>>)
      } else {
      }
      %add3A_59 = arith.constant 1 : i32
      %add3A_60 = arith.addi %add3A_45, %add3A_59 : i32
      %lt3A_61 = arith.constant 100 : i32
      %lt3A_62 = arith.cmpi slt, %add3A_60, %lt3A_61 : i32
      %convert_element_type3A_63 = arith.extui %lt3A_62 : i1 to i32
      %cond3A_64 = arith.constant 0 : i32
      %cond3A_65 = arith.cmpi ne, %convert_element_type3A_63, %cond3A_64 : i32
      scf.if %cond3A_65 {
        %add3A_91 = arith.constant 1 : i32
        %add3A_92 = arith.addi %add3A_45, %add3A_91 : i32
        %mul3A_93 = arith.constant 256 : i32
        %mul3A_94 = arith.muli %add3A_92, %mul3A_93 : i32
        %add3A_95 = arith.addi %mul3A_2, %mul3A_94 : i32
        %jit3A = arith.constant 2 : i32
        %div3A = arith.divsi %add3A_95, %jit3A : i32
        %sign3A = arith.constant 0 : i32
        %sign3A_96 = arith.cmpi sgt, %add3A_95, %sign3A : i32
        %sign3A_97 = arith.extui %sign3A_96 : i1 to i32
        %sign3A_98 = arith.constant 0 : i32
        %sign3A_99 = arith.cmpi slt, %add3A_95, %sign3A_98 : i32
        %sign3A_100 = arith.extui %sign3A_99 : i1 to i32
        %sign3A_101 = arith.subi %sign3A_97, %sign3A_100 : i32
        %sign3A_102 = arith.constant 0 : i32
        %sign3A_103 = arith.cmpi sgt, %jit3A, %sign3A_102 : i32
        %sign3A_104 = arith.extui %sign3A_103 : i1 to i32
        %sign3A_105 = arith.constant 0 : i32
        %sign3A_106 = arith.cmpi slt, %jit3A, %sign3A_105 : i32
        %sign3A_107 = arith.extui %sign3A_106 : i1 to i32
        %sign3A_108 = arith.subi %sign3A_104, %sign3A_107 : i32
        %ne3A = arith.cmpi ne, %sign3A_101, %sign3A_108 : i32
        %rem3A = arith.remsi %add3A_95, %jit3A : i32
        %ne3A_109 = arith.constant 0 : i32
        %ne3A_110 = arith.cmpi ne, %rem3A, %ne3A_109 : i32
        %and3A = arith.andi %ne3A, %ne3A_110 : i1
        %sub3A = arith.constant 1 : i32
        %sub3A_111 = arith.subi %div3A, %sub3A : i32
        %select_n3A = arith.select %and3A, %sub3A_111, %div3A : i32
        %multiple_of3A_112 = tpu.assume_multiple %select_n3A, 128 : i32
        %mul3A_113 = arith.constant 256 : i32
        %mul3A_114 = arith.muli %add3A_92, %mul3A_113 : i32
        %multiple_of3A_115 = tpu.assume_multiple %mul3A_114, 256 : i32
        %dma_wait3A_116 = tpu.memref_slice %arg5[%multiple_of3A_115] : memref<25600xi32, #tpu.memory_space<vmem>> -> memref<256xi32, #tpu.memory_space<vmem>>
        %dma_wait3A_117 = arith.constant 0 : i32
        %dma_wait3A_118 = arith.constant 0 : i32
        %dma_wait3A_119 = tpu.memref_slice %arg2[%dma_wait3A_117, %dma_wait3A_118] : memref<1000000x64xf32, #tpu.memory_space<hbm>> -> memref<1000000x64xf32, #tpu.memory_space<hbm>>
        tpu.wait_indirect_dma semaphore(%arg13 : memref<!tpu.dma_semaphore, #tpu.memory_space<semaphore_mem>>) src(%dma_wait3A_119 : memref<1000000x64xf32, #tpu.memory_space<hbm>>) dst(%arg7 : memref<256x64xf32, #tpu.memory_space<vmem>>)
        %ge3A = arith.constant 3 : i32
        %ge3A_120 = arith.cmpi sge, %add3A_92, %ge3A : i32
        %convert_element_type3A_121 = arith.extui %ge3A_120 : i1 to i32
        %cond3A_122 = arith.constant 0 : i32
        %cond3A_123 = arith.cmpi ne, %convert_element_type3A_121, %cond3A_122 : i32
        scf.if %cond3A_123 {
          %dma_wait3A_133 = arith.constant 0 : i32
          %dma_wait3A_134 = arith.constant 0 : i32
          %dma_wait3A_135 = tpu.memref_slice %arg4[%dma_wait3A_133, %dma_wait3A_134] : memref<409600x128xf32, #tpu.memory_space<hbm>> -> memref<128x128xf32, #tpu.memory_space<hbm>>
          %dma_wait3A_136 = arith.constant 0 : i32
          %dma_wait3A_137 = arith.constant 0 : i32
          %dma_wait3A_138 = tpu.memref_slice %arg4[%dma_wait3A_136, %dma_wait3A_137] : memref<409600x128xf32, #tpu.memory_space<hbm>> -> memref<128x128xf32, #tpu.memory_space<hbm>>
          tpu.wait_dma2 semaphore(%arg16 : memref<!tpu.dma_semaphore, #tpu.memory_space<semaphore_mem>>) src(%arg10 : memref<128x128xf32, #tpu.memory_space<vmem>>) dst(%dma_wait3A_138 : memref<128x128xf32, #tpu.memory_space<hbm>>)
        } else {
        }
        %scan3A_124 = arith.constant 0 : i32
        %scan3A_125 = arith.constant 128 : i32
        %scan3A_126 = arith.addi %scan3A_124, %scan3A_125 : i32
        %scan3A_127 = arith.constant 1 : i32
        scf.for %scan3A_133 = %scan3A_124 to %scan3A_126 step %scan3A_127  : i32 {
          %mul3A_134 = arith.constant 1 : i32
          %mul3A_135 = arith.muli %scan3A_133, %mul3A_134 : i32
          %add3A_136 = arith.constant 0 : i32
          %add3A_137 = arith.addi %add3A_136, %mul3A_135 : i32
          %mul3A_138 = arith.constant 2 : i32
          %mul3A_139 = arith.muli %add3A_137, %mul3A_138 : i32
          %get3A = arith.index_cast %mul3A_139 : i32 to index
          %get3A_140 = arith.constant 0 : index
          %get3A_141 = tpu.vector_load %arg7[%get3A, %get3A_140] {strides = array<i32>} : memref<256x64xf32, #tpu.memory_space<vmem>>, vector<1x16xf32>,
          %get3A_142 = vector.shape_cast %get3A_141 : vector<1x16xf32> to vector<16xf32>
          %swap3A = arith.index_cast %add3A_137 : i32 to index
          %swap3A_143 = arith.constant 0 : index
          %swap3A_144 = tpu.vector_load %arg10[%swap3A, %swap3A_143] {strides = array<i32>} : memref<128x128xf32, #tpu.memory_space<vmem>>, vector<1x16xf32>,
          %swap3A_145 = vector.shape_cast %swap3A_144 : vector<1x16xf32> to vector<16xf32>
          %swap3A_146 = vector.shape_cast %get3A_142 : vector<16xf32> to vector<1x16xf32>
          tpu.vector_store %arg10[%swap3A, %swap3A_143], %swap3A_146 {strides = array<i32>} : memref<128x128xf32, #tpu.memory_space<vmem>>, vector<1x16xf32>,
          %get3A_147 = arith.index_cast %mul3A_139 : i32 to index
          %get3A_148 = arith.constant 16 : index
          %get3A_149 = tpu.vector_load %arg7[%get3A_147, %get3A_148] {strides = array<i32>} : memref<256x64xf32, #tpu.memory_space<vmem>>, vector<1x16xf32>,
          %get3A_150 = vector.shape_cast %get3A_149 : vector<1x16xf32> to vector<16xf32>
          %swap3A_151 = arith.index_cast %add3A_137 : i32 to index
          %swap3A_152 = arith.constant 16 : index
          %swap3A_153 = tpu.vector_load %arg10[%swap3A_151, %swap3A_152] {strides = array<i32>} : memref<128x128xf32, #tpu.memory_space<vmem>>, vector<1x16xf32>,
          %swap3A_154 = vector.shape_cast %swap3A_153 : vector<1x16xf32> to vector<16xf32>
          %swap3A_155 = vector.shape_cast %get3A_150 : vector<16xf32> to vector<1x16xf32>
          tpu.vector_store %arg10[%swap3A_151, %swap3A_152], %swap3A_155 {strides = array<i32>} : memref<128x128xf32, #tpu.memory_space<vmem>>, vector<1x16xf32>,
          %get3A_156 = arith.index_cast %mul3A_139 : i32 to index
          %get3A_157 = arith.constant 32 : index
          %get3A_158 = tpu.vector_load %arg7[%get3A_156, %get3A_157] {strides = array<i32>} : memref<256x64xf32, #tpu.memory_space<vmem>>, vector<1x16xf32>,
          %get3A_159 = vector.shape_cast %get3A_158 : vector<1x16xf32> to vector<16xf32>
          %swap3A_160 = arith.index_cast %add3A_137 : i32 to index
          %swap3A_161 = arith.constant 32 : index
          %swap3A_162 = tpu.vector_load %arg10[%swap3A_160, %swap3A_161] {strides = array<i32>} : memref<128x128xf32, #tpu.memory_space<vmem>>, vector<1x16xf32>,
          %swap3A_163 = vector.shape_cast %swap3A_162 : vector<1x16xf32> to vector<16xf32>
          %swap3A_164 = vector.shape_cast %get3A_159 : vector<16xf32> to vector<1x16xf32>
          tpu.vector_store %arg10[%swap3A_160, %swap3A_161], %swap3A_164 {strides = array<i32>} : memref<128x128xf32, #tpu.memory_space<vmem>>, vector<1x16xf32>,
          %get3A_165 = arith.index_cast %mul3A_139 : i32 to index
          %get3A_166 = arith.constant 48 : index
          %get3A_167 = tpu.vector_load %arg7[%get3A_165, %get3A_166] {strides = array<i32>} : memref<256x64xf32, #tpu.memory_space<vmem>>, vector<1x16xf32>,
          %get3A_168 = vector.shape_cast %get3A_167 : vector<1x16xf32> to vector<16xf32>
          %swap3A_169 = arith.index_cast %add3A_137 : i32 to index
          %swap3A_170 = arith.constant 48 : index
          %swap3A_171 = tpu.vector_load %arg10[%swap3A_169, %swap3A_170] {strides = array<i32>} : memref<128x128xf32, #tpu.memory_space<vmem>>, vector<1x16xf32>,
          %swap3A_172 = vector.shape_cast %swap3A_171 : vector<1x16xf32> to vector<16xf32>
          %swap3A_173 = vector.shape_cast %get3A_168 : vector<16xf32> to vector<1x16xf32>
          tpu.vector_store %arg10[%swap3A_169, %swap3A_170], %swap3A_173 {strides = array<i32>} : memref<128x128xf32, #tpu.memory_space<vmem>>, vector<1x16xf32>,
          %add3A_174 = arith.constant 1 : i32
          %add3A_175 = arith.addi %mul3A_139, %add3A_174 : i32
          %get3A_176 = arith.index_cast %add3A_175 : i32 to index
          %get3A_177 = arith.constant 0 : index
          %get3A_178 = tpu.vector_load %arg7[%get3A_176, %get3A_177] {strides = array<i32>} : memref<256x64xf32, #tpu.memory_space<vmem>>, vector<1x16xf32>,
          %get3A_179 = vector.shape_cast %get3A_178 : vector<1x16xf32> to vector<16xf32>
          %swap3A_180 = arith.index_cast %add3A_137 : i32 to index
          %swap3A_181 = arith.constant 64 : index
          %swap3A_182 = tpu.vector_load %arg10[%swap3A_180, %swap3A_181] {strides = array<i32>} : memref<128x128xf32, #tpu.memory_space<vmem>>, vector<1x16xf32>,
          %swap3A_183 = vector.shape_cast %swap3A_182 : vector<1x16xf32> to vector<16xf32>
          %swap3A_184 = vector.shape_cast %get3A_179 : vector<16xf32> to vector<1x16xf32>
          tpu.vector_store %arg10[%swap3A_180, %swap3A_181], %swap3A_184 {strides = array<i32>} : memref<128x128xf32, #tpu.memory_space<vmem>>, vector<1x16xf32>,
          %add3A_185 = arith.constant 1 : i32
          %add3A_186 = arith.addi %mul3A_139, %add3A_185 : i32
          %get3A_187 = arith.index_cast %add3A_186 : i32 to index
          %get3A_188 = arith.constant 16 : index
          %get3A_189 = tpu.vector_load %arg7[%get3A_187, %get3A_188] {strides = array<i32>} : memref<256x64xf32, #tpu.memory_space<vmem>>, vector<1x16xf32>,
          %get3A_190 = vector.shape_cast %get3A_189 : vector<1x16xf32> to vector<16xf32>
          %swap3A_191 = arith.index_cast %add3A_137 : i32 to index
          %swap3A_192 = arith.constant 80 : index
          %swap3A_193 = tpu.vector_load %arg10[%swap3A_191, %swap3A_192] {strides = array<i32>} : memref<128x128xf32, #tpu.memory_space<vmem>>, vector<1x16xf32>,
          %swap3A_194 = vector.shape_cast %swap3A_193 : vector<1x16xf32> to vector<16xf32>
          %swap3A_195 = vector.shape_cast %get3A_190 : vector<16xf32> to vector<1x16xf32>
          tpu.vector_store %arg10[%swap3A_191, %swap3A_192], %swap3A_195 {strides = array<i32>} : memref<128x128xf32, #tpu.memory_space<vmem>>, vector<1x16xf32>,
          %add3A_196 = arith.constant 1 : i32
          %add3A_197 = arith.addi %mul3A_139, %add3A_196 : i32
          %get3A_198 = arith.index_cast %add3A_197 : i32 to index
          %get3A_199 = arith.constant 32 : index
          %get3A_200 = tpu.vector_load %arg7[%get3A_198, %get3A_199] {strides = array<i32>} : memref<256x64xf32, #tpu.memory_space<vmem>>, vector<1x16xf32>,
          %get3A_201 = vector.shape_cast %get3A_200 : vector<1x16xf32> to vector<16xf32>
          %swap3A_202 = arith.index_cast %add3A_137 : i32 to index
          %swap3A_203 = arith.constant 96 : index
          %swap3A_204 = tpu.vector_load %arg10[%swap3A_202, %swap3A_203] {strides = array<i32>} : memref<128x128xf32, #tpu.memory_space<vmem>>, vector<1x16xf32>,
          %swap3A_205 = vector.shape_cast %swap3A_204 : vector<1x16xf32> to vector<16xf32>
          %swap3A_206 = vector.shape_cast %get3A_201 : vector<16xf32> to vector<1x16xf32>
          tpu.vector_store %arg10[%swap3A_202, %swap3A_203], %swap3A_206 {strides = array<i32>} : memref<128x128xf32, #tpu.memory_space<vmem>>, vector<1x16xf32>,
          %add3A_207 = arith.constant 1 : i32
          %add3A_208 = arith.addi %mul3A_139, %add3A_207 : i32
          %get3A_209 = arith.index_cast %add3A_208 : i32 to index
          %get3A_210 = arith.constant 48 : index
          %get3A_211 = tpu.vector_load %arg7[%get3A_209, %get3A_210] {strides = array<i32>} : memref<256x64xf32, #tpu.memory_space<vmem>>, vector<1x16xf32>,
          %get3A_212 = vector.shape_cast %get3A_211 : vector<1x16xf32> to vector<16xf32>
          %swap3A_213 = arith.index_cast %add3A_137 : i32 to index
          %swap3A_214 = arith.constant 112 : index
          %swap3A_215 = tpu.vector_load %arg10[%swap3A_213, %swap3A_214] {strides = array<i32>} : memref<128x128xf32, #tpu.memory_space<vmem>>, vector<1x16xf32>,
          %swap3A_216 = vector.shape_cast %swap3A_215 : vector<1x16xf32> to vector<16xf32>
          %swap3A_217 = vector.shape_cast %get3A_212 : vector<16xf32> to vector<1x16xf32>
          tpu.vector_store %arg10[%swap3A_213, %swap3A_214], %swap3A_217 {strides = array<i32>} : memref<128x128xf32, #tpu.memory_space<vmem>>, vector<1x16xf32>,
        }
        %scan3A_128 = arith.constant 128 : i32
        %dma_start3A_129 = arith.constant 0 : i32
        %dma_start3A_130 = tpu.memref_slice %arg4[%multiple_of3A_112, %dma_start3A_129] : memref<409600x128xf32, #tpu.memory_space<hbm>> -> memref<128x128xf32, #tpu.memory_space<hbm>>
        %dma_start3A_131 = arith.constant 0 : i32
        %dma_start3A_132 = tpu.memref_slice %arg4[%multiple_of3A_112, %dma_start3A_131] : memref<409600x128xf32, #tpu.memory_space<hbm>> -> memref<128x128xf32, #tpu.memory_space<hbm>>
        tpu.enqueue_dma source(%arg10 : memref<128x128xf32, #tpu.memory_space<vmem>>) target(%dma_start3A_132 : memref<128x128xf32, #tpu.memory_space<hbm>>) target_semaphore(%arg16 : memref<!tpu.dma_semaphore, #tpu.memory_space<semaphore_mem>>)
      } else {
      }
      %add3A_66 = arith.constant 1 : i32
      %add3A_67 = arith.addi %add3A_45, %add3A_66 : i32
      %add3A_68 = arith.constant 3 : i32
      %add3A_69 = arith.addi %add3A_67, %add3A_68 : i32
      %lt3A_70 = arith.constant 100 : i32
      %lt3A_71 = arith.cmpi slt, %add3A_69, %lt3A_70 : i32
      %convert_element_type3A_72 = arith.extui %lt3A_71 : i1 to i32
      %cond3A_73 = arith.constant 0 : i32
      %cond3A_74 = arith.cmpi ne, %convert_element_type3A_72, %cond3A_73 : i32
      scf.if %cond3A_74 {
        %add3A_91 = arith.constant 1 : i32
        %add3A_92 = arith.addi %add3A_45, %add3A_91 : i32
        %add3A_93 = arith.constant 3 : i32
        %add3A_94 = arith.addi %add3A_92, %add3A_93 : i32
        %mul3A_95 = arith.constant 256 : i32
        %mul3A_96 = arith.muli %add3A_94, %mul3A_95 : i32
        %multiple_of3A_97 = tpu.assume_multiple %mul3A_96, 256 : i32
        %dma_start3A_98 = tpu.memref_slice %arg5[%multiple_of3A_97] : memref<25600xi32, #tpu.memory_space<vmem>> -> memref<256xi32, #tpu.memory_space<vmem>>
        %dma_start3A_99 = arith.constant 0 : i32
        %dma_start3A_100 = arith.constant 0 : i32
        %dma_start3A_101 = tpu.memref_slice %arg2[%dma_start3A_99, %dma_start3A_100] : memref<1000000x64xf32, #tpu.memory_space<hbm>> -> memref<1000000x64xf32, #tpu.memory_space<hbm>>
        tpu.enqueue_indirect_dma source(%dma_start3A_101 : memref<1000000x64xf32, #tpu.memory_space<hbm>>) target(%arg7 : memref<256x64xf32, #tpu.memory_space<vmem>>) offsets(%dma_start3A_98 : memref<256xi32, #tpu.memory_space<vmem>>) semaphore(%arg13 : memref<!tpu.dma_semaphore, #tpu.memory_space<semaphore_mem>>)
      } else {
      }
      %add3A_75 = arith.constant 2 : i32
      %add3A_76 = arith.addi %add3A_45, %add3A_75 : i32
      %lt3A_77 = arith.constant 100 : i32
      %lt3A_78 = arith.cmpi slt, %add3A_76, %lt3A_77 : i32
      %convert_element_type3A_79 = arith.extui %lt3A_78 : i1 to i32
      %cond3A_80 = arith.constant 0 : i32
      %cond3A_81 = arith.cmpi ne, %convert_element_type3A_79, %cond3A_80 : i32
      scf.if %cond3A_81 {
        %add3A_91 = arith.constant 2 : i32
        %add3A_92 = arith.addi %add3A_45, %add3A_91 : i32
        %mul3A_93 = arith.constant 256 : i32
        %mul3A_94 = arith.muli %add3A_92, %mul3A_93 : i32
        %add3A_95 = arith.addi %mul3A_2, %mul3A_94 : i32
        %jit3A = arith.constant 2 : i32
        %div3A = arith.divsi %add3A_95, %jit3A : i32
        %sign3A = arith.constant 0 : i32
        %sign3A_96 = arith.cmpi sgt, %add3A_95, %sign3A : i32
        %sign3A_97 = arith.extui %sign3A_96 : i1 to i32
        %sign3A_98 = arith.constant 0 : i32
        %sign3A_99 = arith.cmpi slt, %add3A_95, %sign3A_98 : i32
        %sign3A_100 = arith.extui %sign3A_99 : i1 to i32
        %sign3A_101 = arith.subi %sign3A_97, %sign3A_100 : i32
        %sign3A_102 = arith.constant 0 : i32
        %sign3A_103 = arith.cmpi sgt, %jit3A, %sign3A_102 : i32
        %sign3A_104 = arith.extui %sign3A_103 : i1 to i32
        %sign3A_105 = arith.constant 0 : i32
        %sign3A_106 = arith.cmpi slt, %jit3A, %sign3A_105 : i32
        %sign3A_107 = arith.extui %sign3A_106 : i1 to i32
        %sign3A_108 = arith.subi %sign3A_104, %sign3A_107 : i32
        %ne3A = arith.cmpi ne, %sign3A_101, %sign3A_108 : i32
        %rem3A = arith.remsi %add3A_95, %jit3A : i32
        %ne3A_109 = arith.constant 0 : i32
        %ne3A_110 = arith.cmpi ne, %rem3A, %ne3A_109 : i32
        %and3A = arith.andi %ne3A, %ne3A_110 : i1
        %sub3A = arith.constant 1 : i32
        %sub3A_111 = arith.subi %div3A, %sub3A : i32
        %select_n3A = arith.select %and3A, %sub3A_111, %div3A : i32
        %multiple_of3A_112 = tpu.assume_multiple %select_n3A, 128 : i32
        %mul3A_113 = arith.constant 256 : i32
        %mul3A_114 = arith.muli %add3A_92, %mul3A_113 : i32
        %multiple_of3A_115 = tpu.assume_multiple %mul3A_114, 256 : i32
        %dma_wait3A_116 = tpu.memref_slice %arg5[%multiple_of3A_115] : memref<25600xi32, #tpu.memory_space<vmem>> -> memref<256xi32, #tpu.memory_space<vmem>>
        %dma_wait3A_117 = arith.constant 0 : i32
        %dma_wait3A_118 = arith.constant 0 : i32
        %dma_wait3A_119 = tpu.memref_slice %arg2[%dma_wait3A_117, %dma_wait3A_118] : memref<1000000x64xf32, #tpu.memory_space<hbm>> -> memref<1000000x64xf32, #tpu.memory_space<hbm>>
        tpu.wait_indirect_dma semaphore(%arg14 : memref<!tpu.dma_semaphore, #tpu.memory_space<semaphore_mem>>) src(%dma_wait3A_119 : memref<1000000x64xf32, #tpu.memory_space<hbm>>) dst(%arg8 : memref<256x64xf32, #tpu.memory_space<vmem>>)
        %ge3A = arith.constant 3 : i32
        %ge3A_120 = arith.cmpi sge, %add3A_92, %ge3A : i32
        %convert_element_type3A_121 = arith.extui %ge3A_120 : i1 to i32
        %cond3A_122 = arith.constant 0 : i32
        %cond3A_123 = arith.cmpi ne, %convert_element_type3A_121, %cond3A_122 : i32
        scf.if %cond3A_123 {
          %dma_wait3A_133 = arith.constant 0 : i32
          %dma_wait3A_134 = arith.constant 0 : i32
          %dma_wait3A_135 = tpu.memref_slice %arg4[%dma_wait3A_133, %dma_wait3A_134] : memref<409600x128xf32, #tpu.memory_space<hbm>> -> memref<128x128xf32, #tpu.memory_space<hbm>>
          %dma_wait3A_136 = arith.constant 0 : i32
          %dma_wait3A_137 = arith.constant 0 : i32
          %dma_wait3A_138 = tpu.memref_slice %arg4[%dma_wait3A_136, %dma_wait3A_137] : memref<409600x128xf32, #tpu.memory_space<hbm>> -> memref<128x128xf32, #tpu.memory_space<hbm>>
          tpu.wait_dma2 semaphore(%arg17 : memref<!tpu.dma_semaphore, #tpu.memory_space<semaphore_mem>>) src(%arg11 : memref<128x128xf32, #tpu.memory_space<vmem>>) dst(%dma_wait3A_138 : memref<128x128xf32, #tpu.memory_space<hbm>>)
        } else {
        }
        %scan3A_124 = arith.constant 0 : i32
        %scan3A_125 = arith.constant 128 : i32
        %scan3A_126 = arith.addi %scan3A_124, %scan3A_125 : i32
        %scan3A_127 = arith.constant 1 : i32
        scf.for %scan3A_133 = %scan3A_124 to %scan3A_126 step %scan3A_127  : i32 {
          %mul3A_134 = arith.constant 1 : i32
          %mul3A_135 = arith.muli %scan3A_133, %mul3A_134 : i32
          %add3A_136 = arith.constant 0 : i32
          %add3A_137 = arith.addi %add3A_136, %mul3A_135 : i32
          %mul3A_138 = arith.constant 2 : i32
          %mul3A_139 = arith.muli %add3A_137, %mul3A_138 : i32
          %get3A = arith.index_cast %mul3A_139 : i32 to index
          %get3A_140 = arith.constant 0 : index
          %get3A_141 = tpu.vector_load %arg8[%get3A, %get3A_140] {strides = array<i32>} : memref<256x64xf32, #tpu.memory_space<vmem>>, vector<1x16xf32>,
          %get3A_142 = vector.shape_cast %get3A_141 : vector<1x16xf32> to vector<16xf32>
          %swap3A = arith.index_cast %add3A_137 : i32 to index
          %swap3A_143 = arith.constant 0 : index
          %swap3A_144 = tpu.vector_load %arg11[%swap3A, %swap3A_143] {strides = array<i32>} : memref<128x128xf32, #tpu.memory_space<vmem>>, vector<1x16xf32>,
          %swap3A_145 = vector.shape_cast %swap3A_144 : vector<1x16xf32> to vector<16xf32>
          %swap3A_146 = vector.shape_cast %get3A_142 : vector<16xf32> to vector<1x16xf32>
          tpu.vector_store %arg11[%swap3A, %swap3A_143], %swap3A_146 {strides = array<i32>} : memref<128x128xf32, #tpu.memory_space<vmem>>, vector<1x16xf32>,
          %get3A_147 = arith.index_cast %mul3A_139 : i32 to index
          %get3A_148 = arith.constant 16 : index
          %get3A_149 = tpu.vector_load %arg8[%get3A_147, %get3A_148] {strides = array<i32>} : memref<256x64xf32, #tpu.memory_space<vmem>>, vector<1x16xf32>,
          %get3A_150 = vector.shape_cast %get3A_149 : vector<1x16xf32> to vector<16xf32>
          %swap3A_151 = arith.index_cast %add3A_137 : i32 to index
          %swap3A_152 = arith.constant 16 : index
          %swap3A_153 = tpu.vector_load %arg11[%swap3A_151, %swap3A_152] {strides = array<i32>} : memref<128x128xf32, #tpu.memory_space<vmem>>, vector<1x16xf32>,
          %swap3A_154 = vector.shape_cast %swap3A_153 : vector<1x16xf32> to vector<16xf32>
          %swap3A_155 = vector.shape_cast %get3A_150 : vector<16xf32> to vector<1x16xf32>
          tpu.vector_store %arg11[%swap3A_151, %swap3A_152], %swap3A_155 {strides = array<i32>} : memref<128x128xf32, #tpu.memory_space<vmem>>, vector<1x16xf32>,
          %get3A_156 = arith.index_cast %mul3A_139 : i32 to index
          %get3A_157 = arith.constant 32 : index
          %get3A_158 = tpu.vector_load %arg8[%get3A_156, %get3A_157] {strides = array<i32>} : memref<256x64xf32, #tpu.memory_space<vmem>>, vector<1x16xf32>,
          %get3A_159 = vector.shape_cast %get3A_158 : vector<1x16xf32> to vector<16xf32>
          %swap3A_160 = arith.index_cast %add3A_137 : i32 to index
          %swap3A_161 = arith.constant 32 : index
          %swap3A_162 = tpu.vector_load %arg11[%swap3A_160, %swap3A_161] {strides = array<i32>} : memref<128x128xf32, #tpu.memory_space<vmem>>, vector<1x16xf32>,
          %swap3A_163 = vector.shape_cast %swap3A_162 : vector<1x16xf32> to vector<16xf32>
          %swap3A_164 = vector.shape_cast %get3A_159 : vector<16xf32> to vector<1x16xf32>
          tpu.vector_store %arg11[%swap3A_160, %swap3A_161], %swap3A_164 {strides = array<i32>} : memref<128x128xf32, #tpu.memory_space<vmem>>, vector<1x16xf32>,
          %get3A_165 = arith.index_cast %mul3A_139 : i32 to index
          %get3A_166 = arith.constant 48 : index
          %get3A_167 = tpu.vector_load %arg8[%get3A_165, %get3A_166] {strides = array<i32>} : memref<256x64xf32, #tpu.memory_space<vmem>>, vector<1x16xf32>,
          %get3A_168 = vector.shape_cast %get3A_167 : vector<1x16xf32> to vector<16xf32>
          %swap3A_169 = arith.index_cast %add3A_137 : i32 to index
          %swap3A_170 = arith.constant 48 : index
          %swap3A_171 = tpu.vector_load %arg11[%swap3A_169, %swap3A_170] {strides = array<i32>} : memref<128x128xf32, #tpu.memory_space<vmem>>, vector<1x16xf32>,
          %swap3A_172 = vector.shape_cast %swap3A_171 : vector<1x16xf32> to vector<16xf32>
          %swap3A_173 = vector.shape_cast %get3A_168 : vector<16xf32> to vector<1x16xf32>
          tpu.vector_store %arg11[%swap3A_169, %swap3A_170], %swap3A_173 {strides = array<i32>} : memref<128x128xf32, #tpu.memory_space<vmem>>, vector<1x16xf32>,
          %add3A_174 = arith.constant 1 : i32
          %add3A_175 = arith.addi %mul3A_139, %add3A_174 : i32
          %get3A_176 = arith.index_cast %add3A_175 : i32 to index
          %get3A_177 = arith.constant 0 : index
          %get3A_178 = tpu.vector_load %arg8[%get3A_176, %get3A_177] {strides = array<i32>} : memref<256x64xf32, #tpu.memory_space<vmem>>, vector<1x16xf32>,
          %get3A_179 = vector.shape_cast %get3A_178 : vector<1x16xf32> to vector<16xf32>
          %swap3A_180 = arith.index_cast %add3A_137 : i32 to index
          %swap3A_181 = arith.constant 64 : index
          %swap3A_182 = tpu.vector_load %arg11[%swap3A_180, %swap3A_181] {strides = array<i32>} : memref<128x128xf32, #tpu.memory_space<vmem>>, vector<1x16xf32>,
          %swap3A_183 = vector.shape_cast %swap3A_182 : vector<1x16xf32> to vector<16xf32>
          %swap3A_184 = vector.shape_cast %get3A_179 : vector<16xf32> to vector<1x16xf32>
          tpu.vector_store %arg11[%swap3A_180, %swap3A_181], %swap3A_184 {strides = array<i32>} : memref<128x128xf32, #tpu.memory_space<vmem>>, vector<1x16xf32>,
          %add3A_185 = arith.constant 1 : i32
          %add3A_186 = arith.addi %mul3A_139, %add3A_185 : i32
          %get3A_187 = arith.index_cast %add3A_186 : i32 to index
          %get3A_188 = arith.constant 16 : index
          %get3A_189 = tpu.vector_load %arg8[%get3A_187, %get3A_188] {strides = array<i32>} : memref<256x64xf32, #tpu.memory_space<vmem>>, vector<1x16xf32>,
          %get3A_190 = vector.shape_cast %get3A_189 : vector<1x16xf32> to vector<16xf32>
          %swap3A_191 = arith.index_cast %add3A_137 : i32 to index
          %swap3A_192 = arith.constant 80 : index
          %swap3A_193 = tpu.vector_load %arg11[%swap3A_191, %swap3A_192] {strides = array<i32>} : memref<128x128xf32, #tpu.memory_space<vmem>>, vector<1x16xf32>,
          %swap3A_194 = vector.shape_cast %swap3A_193 : vector<1x16xf32> to vector<16xf32>
          %swap3A_195 = vector.shape_cast %get3A_190 : vector<16xf32> to vector<1x16xf32>
          tpu.vector_store %arg11[%swap3A_191, %swap3A_192], %swap3A_195 {strides = array<i32>} : memref<128x128xf32, #tpu.memory_space<vmem>>, vector<1x16xf32>,
          %add3A_196 = arith.constant 1 : i32
          %add3A_197 = arith.addi %mul3A_139, %add3A_196 : i32
          %get3A_198 = arith.index_cast %add3A_197 : i32 to index
          %get3A_199 = arith.constant 32 : index
          %get3A_200 = tpu.vector_load %arg8[%get3A_198, %get3A_199] {strides = array<i32>} : memref<256x64xf32, #tpu.memory_space<vmem>>, vector<1x16xf32>,
          %get3A_201 = vector.shape_cast %get3A_200 : vector<1x16xf32> to vector<16xf32>
          %swap3A_202 = arith.index_cast %add3A_137 : i32 to index
          %swap3A_203 = arith.constant 96 : index
          %swap3A_204 = tpu.vector_load %arg11[%swap3A_202, %swap3A_203] {strides = array<i32>} : memref<128x128xf32, #tpu.memory_space<vmem>>, vector<1x16xf32>,
          %swap3A_205 = vector.shape_cast %swap3A_204 : vector<1x16xf32> to vector<16xf32>
          %swap3A_206 = vector.shape_cast %get3A_201 : vector<16xf32> to vector<1x16xf32>
          tpu.vector_store %arg11[%swap3A_202, %swap3A_203], %swap3A_206 {strides = array<i32>} : memref<128x128xf32, #tpu.memory_space<vmem>>, vector<1x16xf32>,
          %add3A_207 = arith.constant 1 : i32
          %add3A_208 = arith.addi %mul3A_139, %add3A_207 : i32
          %get3A_209 = arith.index_cast %add3A_208 : i32 to index
          %get3A_210 = arith.constant 48 : index
          %get3A_211 = tpu.vector_load %arg8[%get3A_209, %get3A_210] {strides = array<i32>} : memref<256x64xf32, #tpu.memory_space<vmem>>, vector<1x16xf32>,
          %get3A_212 = vector.shape_cast %get3A_211 : vector<1x16xf32> to vector<16xf32>
          %swap3A_213 = arith.index_cast %add3A_137 : i32 to index
          %swap3A_214 = arith.constant 112 : index
          %swap3A_215 = tpu.vector_load %arg11[%swap3A_213, %swap3A_214] {strides = array<i32>} : memref<128x128xf32, #tpu.memory_space<vmem>>, vector<1x16xf32>,
          %swap3A_216 = vector.shape_cast %swap3A_215 : vector<1x16xf32> to vector<16xf32>
          %swap3A_217 = vector.shape_cast %get3A_212 : vector<16xf32> to vector<1x16xf32>
          tpu.vector_store %arg11[%swap3A_213, %swap3A_214], %swap3A_217 {strides = array<i32>} : memref<128x128xf32, #tpu.memory_space<vmem>>, vector<1x16xf32>,
        }
        %scan3A_128 = arith.constant 128 : i32
        %dma_start3A_129 = arith.constant 0 : i32
        %dma_start3A_130 = tpu.memref_slice %arg4[%multiple_of3A_112, %dma_start3A_129] : memref<409600x128xf32, #tpu.memory_space<hbm>> -> memref<128x128xf32, #tpu.memory_space<hbm>>
        %dma_start3A_131 = arith.constant 0 : i32
        %dma_start3A_132 = tpu.memref_slice %arg4[%multiple_of3A_112, %dma_start3A_131] : memref<409600x128xf32, #tpu.memory_space<hbm>> -> memref<128x128xf32, #tpu.memory_space<hbm>>
        tpu.enqueue_dma source(%arg11 : memref<128x128xf32, #tpu.memory_space<vmem>>) target(%dma_start3A_132 : memref<128x128xf32, #tpu.memory_space<hbm>>) target_semaphore(%arg17 : memref<!tpu.dma_semaphore, #tpu.memory_space<semaphore_mem>>)
      } else {
      }
      %add3A_82 = arith.constant 2 : i32
      %add3A_83 = arith.addi %add3A_45, %add3A_82 : i32
      %add3A_84 = arith.constant 3 : i32
      %add3A_85 = arith.addi %add3A_83, %add3A_84 : i32
      %lt3A_86 = arith.constant 100 : i32
      %lt3A_87 = arith.cmpi slt, %add3A_85, %lt3A_86 : i32
      %convert_element_type3A_88 = arith.extui %lt3A_87 : i1 to i32
      %cond3A_89 = arith.constant 0 : i32
      %cond3A_90 = arith.cmpi ne, %convert_element_type3A_88, %cond3A_89 : i32
      scf.if %cond3A_90 {
        %add3A_91 = arith.constant 2 : i32
        %add3A_92 = arith.addi %add3A_45, %add3A_91 : i32
        %add3A_93 = arith.constant 3 : i32
        %add3A_94 = arith.addi %add3A_92, %add3A_93 : i32
        %mul3A_95 = arith.constant 256 : i32
        %mul3A_96 = arith.muli %add3A_94, %mul3A_95 : i32
        %multiple_of3A_97 = tpu.assume_multiple %mul3A_96, 256 : i32
        %dma_start3A_98 = tpu.memref_slice %arg5[%multiple_of3A_97] : memref<25600xi32, #tpu.memory_space<vmem>> -> memref<256xi32, #tpu.memory_space<vmem>>
        %dma_start3A_99 = arith.constant 0 : i32
        %dma_start3A_100 = arith.constant 0 : i32
        %dma_start3A_101 = tpu.memref_slice %arg2[%dma_start3A_99, %dma_start3A_100] : memref<1000000x64xf32, #tpu.memory_space<hbm>> -> memref<1000000x64xf32, #tpu.memory_space<hbm>>
        tpu.enqueue_indirect_dma source(%dma_start3A_101 : memref<1000000x64xf32, #tpu.memory_space<hbm>>) target(%arg8 : memref<256x64xf32, #tpu.memory_space<vmem>>) offsets(%dma_start3A_98 : memref<256xi32, #tpu.memory_space<vmem>>) semaphore(%arg14 : memref<!tpu.dma_semaphore, #tpu.memory_space<semaphore_mem>>)
      } else {
      }
    }
    %scan3A_23 = arith.constant 34 : i32
    %dma_wait3A = arith.constant 0 : i32
    %dma_wait3A_24 = arith.constant 0 : i32
    %dma_wait3A_25 = tpu.memref_slice %arg4[%dma_wait3A, %dma_wait3A_24] : memref<409600x128xf32, #tpu.memory_space<hbm>> -> memref<128x128xf32, #tpu.memory_space<hbm>>
    %dma_wait3A_26 = arith.constant 0 : i32
    %dma_wait3A_27 = arith.constant 0 : i32
    %dma_wait3A_28 = tpu.memref_slice %arg4[%dma_wait3A_26, %dma_wait3A_27] : memref<409600x128xf32, #tpu.memory_space<hbm>> -> memref<128x128xf32, #tpu.memory_space<hbm>>
    tpu.wait_dma2 semaphore(%arg15 : memref<!tpu.dma_semaphore, #tpu.memory_space<semaphore_mem>>) src(%arg9 : memref<128x128xf32, #tpu.memory_space<vmem>>) dst(%dma_wait3A_28 : memref<128x128xf32, #tpu.memory_space<hbm>>)
    %dma_wait3A_29 = arith.constant 0 : i32
    %dma_wait3A_30 = arith.constant 0 : i32
    %dma_wait3A_31 = tpu.memref_slice %arg4[%dma_wait3A_29, %dma_wait3A_30] : memref<409600x128xf32, #tpu.memory_space<hbm>> -> memref<128x128xf32, #tpu.memory_space<hbm>>
    %dma_wait3A_32 = arith.constant 0 : i32
    %dma_wait3A_33 = arith.constant 0 : i32
    %dma_wait3A_34 = tpu.memref_slice %arg4[%dma_wait3A_32, %dma_wait3A_33] : memref<409600x128xf32, #tpu.memory_space<hbm>> -> memref<128x128xf32, #tpu.memory_space<hbm>>
    tpu.wait_dma2 semaphore(%arg16 : memref<!tpu.dma_semaphore, #tpu.memory_space<semaphore_mem>>) src(%arg10 : memref<128x128xf32, #tpu.memory_space<vmem>>) dst(%dma_wait3A_34 : memref<128x128xf32, #tpu.memory_space<hbm>>)
    %dma_wait3A_35 = arith.constant 0 : i32
    %dma_wait3A_36 = arith.constant 0 : i32
    %dma_wait3A_37 = tpu.memref_slice %arg4[%dma_wait3A_35, %dma_wait3A_36] : memref<409600x128xf32, #tpu.memory_space<hbm>> -> memref<128x128xf32, #tpu.memory_space<hbm>>
    %dma_wait3A_38 = arith.constant 0 : i32
    %dma_wait3A_39 = arith.constant 0 : i32
    %dma_wait3A_40 = tpu.memref_slice %arg4[%dma_wait3A_38, %dma_wait3A_39] : memref<409600x128xf32, #tpu.memory_space<hbm>> -> memref<128x128xf32, #tpu.memory_space<hbm>>
    tpu.wait_dma2 semaphore(%arg17 : memref<!tpu.dma_semaphore, #tpu.memory_space<semaphore_mem>>) src(%arg11 : memref<128x128xf32, #tpu.memory_space<vmem>>) dst(%dma_wait3A_40 : memref<128x128xf32, #tpu.memory_space<hbm>>)
    return
  }
}

</mosaic_0001>

<sc_bundles>
// kernel: kernel.3.cloned.1.call-start
scs
__scs_entry_jumppad:
0x0: {  	(pc) =	sbr.rel $0x88, $3  }
0x1: {  	(tag) =	ssettag $0x0;
	lr =	simm.s32 $0x1  }
0x2: {  	[smem:$0x3F9F] =	sst lr;
	_ =	strace $0xD0000000  }
0x3: {  	_ = 	snop  }
0x4: {  	_ = 	snop  }
0x5: {  	_ = 	snop  }
0x6: {  	_ = 	snop  }
0x7: {  	_ = 	snop  }
__scs_overlays_trampoline_lowered:
0x8: {  	[smem:$0x3FAE] =	sst s0  }
0x9: {  	[smem:$0x3FAF] =	sst s1  }
0xa: {  	[smem:$0x3FB0] =	sst s2  }
0xb: {  	[smem:$0x3FB1] =	sst s3  }
0xc: {  	[smem:$0x3FB2] =	sst s4  }
0xd: {  	[smem:$0x3FB3] =	sst s5  }
0xe: {  	[smem:$0x3FB4] =	sst s6  }
0xf: {  	[smem:$0x3FB5] =	sst s7  }
0x10: {  	[smem:$0x3FB6] =	sst s8  }
0x11: {  	[smem:$0x3FB7] =	sst s9;
	s0 =	simm.s32 @!p0 $0x0  }
0x12: {  	s1 =	sld [smem:$0x3F9D];
	s0 =	simm.s32 @p0 $0x1  }
0x13: {  	[smem:$0x3FB8] =	sst s0;
	s0 =	simm.s32 @!p1 $0x0  }
0x14: {  	s2 =	sld [smem:$0x3F9C];
	s0 =	simm.s32 @p1 $0x1  }
0x15: {  	[smem:$0x3FB9] =	sst s0;
	s0 =	simm.s32 @!p2 $0x0  }
0x16: {  	s3 =	sld [smem:$0x3FDB];
	s0 =	simm.s32 @p2 $0x1  }
0x17: {  	s4 =	simm.s32 $0x1BF5;
	[smem:$0x3FBB] =	sst s0  }
0x18: {  	s0 =	sld [smem:$0x3F9E];
	_ =	swait.ge [sflag:s4], $0x0  }
0x19: {  	s7 =	sld [smem:$0x3F9F]  }
0x1a: {  	s8 =	sadd.s32 $0xFFFFE003, lr  }
0x1b: {  	s9 =	sadd.s32 $0xFFFFFEF7, lr;
	s5 =	simm.s32 $0xFFFFFFFF;
	p2 =	slt.u32 s8, $0xFFFFF086  }
0x1c: {  	p1 =	slt.u32 s9, $0xF7A;
	s5 =	simm.s32 @!p2 $0x0  }
0x1d: {  	s5 =	simm.s32 @p1 $0x1;
	p0 =	seq.s32 s7, s2  }
0x1e: {  	s7 =	smul.u32 @!p0 $0xF7A, s2;
	p2 =	seq.s32 @!p0 s5, $0x0  }
0x1f: {  	s9 =	smul.u32 $0xF7A, s1;
	s8 =	simm.s32 @!p0 $0x1BF5;
	p2 =	por !p2, p0  }
0x20: {  	[sflag:s8] =	ssyncset.s32 @!p0 $0xFFFFF086;
	s6 =	sadd.s32 @!p0 s3, s7;
	s7 =	simm.s32 @!p0 $0x108  }
0x21: {  	s3 =	sadd.s32 s3, s9;
	s6 =	sadd.s32 @!p0 $0x88, s6;
	s7 =	simm.s32 @p2 $0x1082  }
0x22: {  	[simem:s7], [sflag:s8] =	dma.local @!p0 [hbm:s6], $0xF7A  }
0x23: {  	s9 =	sor.u32 $0xD0000000, s2;
	s6 =	simm.s32 $0x108;
	_ =	swait.ge @!p0 [sflag:s8], $0x0  }
0x24: {  	s3 =	sadd.s32 $0x88, s3;
	s6 =	simm.s32 @!p1 $0x1082;
	[sflag:s4] =	ssyncset.s32 $0xFFFFF086  }
0x25: {  	[simem:s6], [sflag:s4] =	dma.local [hbm:s3], $0xF7A  }
0x26: {  	[smem:$0x3F9F] =	sst s1;
	(tag) =	ssettag s2;
	_ =	strace s9  }
0x27: {  	s1 =	sld [smem:$0x3FAF]  }
0x28: {  	s2 =	sld [smem:$0x3FB0]  }
0x29: {  	s4 =	sld [smem:$0x3FB2]  }
0x2a: {  	p0 =	seq.s32 s5, $0x0;
	s5 =	sld [smem:$0x3FB3]  }
0x2b: {  	s6 =	sld [smem:$0x3FB4]  }
0x2c: {  	s7 =	sld [smem:$0x3FB5]  }
0x2d: {  	s3 =	simm.s32 $0x108;
	s8 =	sld [smem:$0x3FB6]  }
0x2e: {  	s3 =	simm.s32 @!p0 $0x1082;
	s9 =	sld [smem:$0x3FB7]  }
0x2f: {  	lr =	sadd.s32 s0, s3;
	s0 =	sld [smem:$0x3FAE]  }
0x30: {  	s3 =	sld [smem:$0x3FB1]  }
0x31: {  	[smem:$0x3FBA] =	sst s10  }
0x32: {  	s10 =	sld [smem:$0x3FB8];
	_ =	sdelay $0x3  }
0x33: {  	p0 =	seq.s32 s10, $0x1;
	s10 =	sld [smem:$0x3FBA];
	_ =	sdelay $0x3  }
0x34: {  	[smem:$0x3FBA] =	sst s10  }
0x35: {  	s10 =	sld [smem:$0x3FB9];
	_ =	sdelay $0x3  }
0x36: {  	p1 =	seq.s32 s10, $0x1;
	s10 =	sld [smem:$0x3FBA];
	_ =	sdelay $0x3  }
0x37: {  	[smem:$0x3FBA] =	sst s10  }
0x38: {  	s10 =	sld [smem:$0x3FBB]  }
0x39: {  	_ = 	snop;
	(pc) =	sbr.ind lr, $3  }
0x3a: {  	_ = 	snop  }
0x3b: {  	_ = 	snop  }
0x3c: {  	p2 =	seq.s32 s10, $0x1;
	s10 =	sld [smem:$0x3FBA]  }
0x3d: {  	_ =	shalt  }
0x3e: {  	_ =	shalt  }
0x3f: {  	_ =	shalt  }
0x40: {  	_ =	shalt  }
0x41: {  	_ =	shalt  }
0x42: {  	_ =	shalt  }
0x43: {  	_ =	shalt  }
0x44: {  	_ =	shalt  }
0x45: {  	_ =	shalt  }
0x46: {  	_ =	shalt  }
0x47: {  	_ =	shalt  }
0x48: {  	_ =	shalt  }
0x49: {  	_ =	shalt  }
0x4a: {  	_ =	shalt  }
0x4b: {  	_ =	shalt  }
0x4c: {  	_ =	shalt  }
0x4d: {  	_ =	shalt  }
0x4e: {  	_ =	shalt  }
0x4f: {  	_ =	shalt  }
0x50: {  	_ =	shalt  }
0x51: {  	_ =	shalt  }
0x52: {  	_ =	shalt  }
0x53: {  	_ =	shalt  }
0x54: {  	_ =	shalt  }
0x55: {  	_ =	shalt  }
0x56: {  	_ =	shalt  }
0x57: {  	_ =	shalt  }
0x58: {  	_ =	shalt  }
0x59: {  	_ =	shalt  }
0x5a: {  	_ =	shalt  }
0x5b: {  	_ =	shalt  }
0x5c: {  	_ =	shalt  }
0x5d: {  	_ =	shalt  }
0x5e: {  	_ =	shalt  }
0x5f: {  	_ =	shalt  }
0x60: {  	_ =	shalt  }
0x61: {  	_ =	shalt  }
0x62: {  	_ =	shalt  }
0x63: {  	_ =	shalt  }
0x64: {  	_ =	shalt  }
0x65: {  	_ =	shalt  }
0x66: {  	_ =	shalt  }
0x67: {  	_ =	shalt  }
0x68: {  	_ =	shalt  }
0x69: {  	_ =	shalt  }
0x6a: {  	_ =	shalt  }
0x6b: {  	_ =	shalt  }
0x6c: {  	_ =	shalt  }
0x6d: {  	_ =	shalt  }
0x6e: {  	_ =	shalt  }
0x6f: {  	_ =	shalt  }
0x70: {  	_ =	shalt  }
0x71: {  	_ =	shalt  }
0x72: {  	_ =	shalt  }
0x73: {  	_ =	shalt  }
0x74: {  	_ =	shalt  }
0x75: {  	_ =	shalt  }
0x76: {  	_ =	shalt  }
0x77: {  	_ =	shalt  }
0x78: {  	_ =	shalt  }
0x79: {  	_ =	shalt  }
0x7a: {  	_ =	shalt  }
0x7b: {  	_ =	shalt  }
0x7c: {  	_ =	shalt  }
0x7d: {  	_ =	shalt  }
0x7e: {  	_ =	shalt  }
0x7f: {  	_ =	shalt  }
0x80: {  	_ =	shalt  }
0x81: {  	_ =	shalt  }
0x82: {  	_ =	shalt  }
0x83: {  	_ =	shalt  }
0x84: {  	_ =	shalt  }
0x85: {  	_ =	shalt  }
0x86: {  	_ =	shalt  }
0x87: {  	_ =	shalt  }
.Lfunc_end0:
.L_simem_size_0:
called_computation.1_lowered:
.L_overlay_start_0:
0x88: {  	s2 =	sld [smem:$0x3FD9]  }
0x89: {  	s3 =	sld [smem:$0x3FFE];
	_ =	sdelay $0x1  }
0x8a: {  	s1 =	srdreg.scid  }
0x8b: {  	s0 =	sand.u32 $0x1, s1  }
0x8c: {  	s17 =	sshll.u32 s0, $0xA;
	s2 =	sadd.s32 s3, s2  }
0x8d: {  	s2 =	sadd.s32 s2, s17  }
0x8e: {  	[smem:$0x3FC6] =	sst s2  }
0x8f: {  	_ = 	snop  }
0x90: {  	s2 =	sld [smem:$0x3FD0];
	(tm) =	ssettm $0x1  }
0x91: {  	s18 =	sld [smem:$0x3FFB];
	_ =	sdelay $0x3  }
0x92: {  	_ =	strace s18  }
0x93: {  	s3 =	sld [smem:$0x3FFC];
	_ =	sdelay $0x3  }
0x94: {  	_ =	strace s3  }
0x95: {  	s3 =	sld [smem:$0x3FFD];
	_ =	sdelay $0x3  }
0x96: {  	_ =	strace s3  }
0x97: {  	_ =	strace $0x8FFFFFFF  }
0x98: {  	s19 =	sld [smem:$0x3FDB];
	_ =	sdelay $0x1  }
0x99: {  	s4 =	simm.s32 $_scs_section_size  }
0x9a: {  	s5 =	simm.s32 $_size__tile_overlayer_lowered;
	s6 =	simm.s32 $_tile_overlayer_lowered  }
0x9b: {  	s22 =	simm.s32 $0x1BFF;
	s21 =	sshll.u32 s6, $0x1;
	s3 =	sadd.s32 s4, s19  }
0x9c: {  	s7 =	simm.s32 $0x0;
	s20 =	sshll.u32 s5, $0x1;
	s5 =	sadd.s32 s21, s3  }
0x9d: {  	[timem:s7], [sflag:s22] =	dma.local [hbm:s5], s20  }
0x9e: {  	_ =	swait.ge [sflag:s22], s20  }
0x9f: {  	s4 =	ssub.s32 $0x0, s20;
	[sflag:s22] =	ssyncset.done $0x0  }
0xa0: {  	[sflag:s22] =	ssyncadd.s32 s4;
	_ =	sdelay $0x1  }
0xa1: {  	s23 =	simm.s32 $0x1B8B  }
0xa2: {  	_ =	swait.ge [sflag:s23], $0x1  }
0xa3: {  	[sflag:s23] =	ssyncset.done $0x0  }
0xa4: {  	s25 =	simm.s32 $0x1B8E;
	s24 =	sld [smem:$0x3FFE];
	[sflag:s23] =	ssyncadd.s32 $0xFFFFFFFF  }
0xa5: {  	s26 =	simm.s32 $execute0_lowered;
	[smem:$0x3FD2] =	sst s25  }
0xa6: {  	s5 =	sshll.u32 s26, $0x1;
	_ =	strace $0x80000046;
	[dreg:$0x1] =	wrdreg $0xFFFFFFFF  }
0xa7: {  	s28 =	simm.s32 $_size_execute0_lowered;
	s3 =	sadd.s32 s3, s5;
	[dreg:$0x0] =	wrdreg $0x0  }
0xa8: {  	s5 =	sshll.u32 s28, $0x1;
	[dreg:$0x2] =	wrdreg s3  }
0xa9: {  	[dreg:$0x3] =	wrdreg s5  }
0xaa: {  	[dreg:$0x4] =	wrdreg $0xC0  }
0xab: {  	_ =	task [dreg:s7], $0x5FFFF  }
0xac: {  	[dreg:$0x1] =	wrdreg $0xFFFFFFFF  }
0xad: {  	[dreg:$0x0] =	wrdreg $0x60  }
0xae: {  	[dreg:$0x2] =	wrdreg s24  }
0xaf: {  	[dreg:$0x3] =	wrdreg s2  }
0xb0: {  	[dreg:$0x4] =	wrdreg $0x9  }
0xb1: {  	_ =	task.clear_ibuf [dreg:s7], $0x5FFFF;
	_ =	strace $0x90000046  }
0xb2: {  	s29 =	simm.s32 $0x9;
	_ =	strace $0x80000048  }
0xb3: {  	_ =	swait.ge [sflag:s29], $0x1  }
0xb4: {  	[sflag:s29] =	ssyncadd.s32 $0xFFFFFFFF  }
0xb5: {  	_ =	strace $0x90000048  }
0xb6: {  	_ =	sfence  }
0xb7: {  	s30 =	sld [smem:$0x0];
	_ =	sdelay $0x2  }
0xb8: {  	s31 =	sshll.u32 s1, $0xD;
	s1 =	sshrl.u32 s1, $0x2  }
0xb9: {  	s3 =	sand.u32 $0x4000, s31;
	s1 =	sadd.s32 s1, s30  }
0xba: {  	s0 =	sor.u32 s3, s0;
	s1 =	sshll.u32 s1, $0x11  }
0xbb: {  	s0 =	sor.u32 s1, s0  }
0xbc: {  	s0 =	sadd.s32 $0x8F2B, s0  }
0xbd: {  	[sflag:s0] =	ssyncadd.remote.s32 $0x1  }
0xbe: {  	_ =	sfence.sel $0xFFFF  }
0xbf: {  	[dreg:$0x0] =	wrdreg $0xFFFFFFFF;
	(pc) =	sbr.abs _section_cstart, $3  }
0xc0: {  	[dreg:$0x1] =	wrdreg $0xFFFFFFFF  }
0xc1: {  	_ =	task.clear_ibuf [dreg:s7], $0x2FFFF;
	_ =	strace $0x9FFFFFFF  }
0xc2: {  	(tm) =	ssettm $0x7FFFFFFF  }
0xc3: {  	_ =	shalt  }
tec
execute0_lowered:
.L_overlay_start_1:
0x0: {  	(tag) =	ssettag $0x1  }
0x1: {  	s1 =	rddreg [dreg:$0x0]  }
0x2: {  	s3 =	srdreg.scid;
	s0 =	stileid.u32  }
0x3: {  	s2 =	rddreg [dreg:$0x1];
	s11 =	simm.s32 $0x100;
	s12 =	simm.s32 $0x6400  }
0x4: {  	s13 =	simm.s32 $0xA400;
	s14 =	simm.s32 $0x200;
	s15 =	simm.s32 $0xE400  }
0x5: {  	s16 =	simm.s32 $0x1;
	s17 =	simm.s32 $0x12400;
	s18 =	simm.s32 $0x4  }
0x6: {  	s19 =	simm.s32 $0x5;
	s20 =	simm.s32 $0x6;
	s21 =	simm.s32 $0x2  }
0x7: {  	s22 =	simm.s32 $0x16400;
	s5 =	sand.u32 $0x1, s3;
	s4 =	sshll.u32 s0, $0x1  }
0x8: {  	s23 =	simm.s32 $0x3;
	s24 =	simm.s32 $0x1A400;
	s6 =	sor.u32 s5, s4  }
0x9: {  	s25 =	simm.s32 $0x0;
	s3 =	simm.s32 $0x0;
	s4 =	smul.u32 $0x6400, s6  }
.Ltmp0:
0xa: {  	[smem:$0x7FF] =	sst s3;
	s8 =	ssub.s32 $0x2, s5;
	(pc) =	sbr.rel .LBB2_1-.Ltmp0, $4  }
0xb: {  	s5 =	sadd.s32 $0xF42E00, s1;
	s9 =	smul.u32 $0x190000, s6;
	s31 =	sshrl.u32 s8, $0x1  }
0xc: {  	_ =	strace $0x80000047;
	s10 =	ssub.s32 s8, s31;
	s7 =	sshrl.u32 s4, $0x3  }
0xd: {  	s8 =	sor.u32 $0x8000, s9;
	s1 =	sadd.s32 s7, s1;
	s7 =	sor.u32 $0x4000, s9  }
0xe: {  	s9 =	smax.u32 s10, $0x1;
	s10 =	simm.s32 $0x7;
	s6 =	sadd.s32 $0xA00, s1  }
.LBB2_14:
0xf: {  	_ =	swait.ge [sflag:s18], $0x4000  }
0x10: {  	[sflag:s18] =	ssyncset.done $0x0  }
0x11: {  	s25 =	sadd.s32 $0x1, s25;
	[sflag:s18] =	ssyncadd.s32 $0xFFFFC000  }
0x12: {  	p0 =	sne.s32 s25, s9;
	_ =	swait.ge [sflag:s19], $0x4000  }
.Ltmp1:
0x13: {  	[sflag:s19] =	ssyncset.done $0x0;
	(pc) =	sbr.rel @!p0 .LBB2_15-.Ltmp1, $4  }
0x14: {  	[sflag:s19] =	ssyncadd.s32 $0xFFFFC000  }
0x15: {  	_ =	swait.ge [sflag:s20], $0x4000  }
0x16: {  	[sflag:s20] =	ssyncset.done $0x0  }
0x17: {  	[sflag:s20] =	ssyncadd.s32 $0xFFFFC000  }
.LBB2_1:
0x18: {  	[tilespmem:s3], [sflag:$0x7] =	stream.linear.gather [hbm4b:s6+s3], $0x6400, $0x38;
	[tilespmem:$0x1E400] =	vst v63  }
0x19: {  	_ =	swait.ge [sflag:s10], $0x6400  }
0x1a: {  	[sflag:s10] =	ssyncset.done $0x0  }
0x1b: {  	[sflag:s10] =	ssyncadd.s32 $0xFFFF9C00  }
0x1c: {  	[tilespmem:s12], [sflag:$0x1] =	stream.indirect.gather [hbm4b:s5+s11], $0x40, s3, s11, $0xb8;
	[tilespmem:$0x1E400] =	vst v63  }
0x1d: {  	_ = 	snop  }
0x1e: {  	[tilespmem:s13], [sflag:$0x2] =	stream.indirect.gather [hbm4b:s5+s11], $0x40, s11, s11, $0xb8;
	[tilespmem:$0x1E400] =	vst v63  }
0x1f: {  	s26 =	simm.s32 $0x0  }
0x20: {  	[tilespmem:s15], [sflag:$0x3] =	stream.indirect.gather [hbm4b:s5+s11], $0x40, s14, s11, $0xb8;
	[tilespmem:$0x1E400] =	vst v63  }
.LBB2_2:
0x21: {  	_ =	swait.ge [sflag:s16], $0x4000  }
0x22: {  	p0 =	seq.s32 s26, $0x0;
	[sflag:s16] =	ssyncset.done $0x0  }
0x23: {  	s1 =	simm.s32 @!p0 $0x4;
	[sflag:s16] =	ssyncadd.s32 $0xFFFFC000  }
0x24: {  	_ =	swait.ge @!p0 [sflag:s1], $0x4000  }
0x25: {  	[sflag:s1] =	ssyncset.done @!p0 $0x0  }
0x26: {  	s28 =	simm.s32 $0x0;
	[sflag:s1] =	ssyncadd.s32 @!p0 $0xFFFFC000  }
0x27: {  	v3 =	vld [tilespmem:s28+$0x6470]  }
0x28: {  	v4 =	vld [tilespmem:s28+$0x6400]  }
0x29: {  	v5 =	vld [tilespmem:s28+$0x6410]  }
0x2a: {  	v2 =	vld [tilespmem:s28+$0x6420]  }
0x2b: {  	v0 =	vld [tilespmem:s28+$0x6430]  }
0x2c: {  	s1 =	smul.u32 $0x300, s26;
	v1 =	vld [tilespmem:s28+$0x6440];
	[tilespmem:s28+$0x12470] =	vst v3  }
0x2d: {  	[tilespmem:s28+$0x12400] =	vst v4;
	v3 =	vld [tilespmem:s28+$0x6450]  }
0x2e: {  	s30 =	simm.s32 $0x80;
	s31 =	simm.s32 $0x400;
	s29 =	sadd.s32 s4, s1;
	[tilespmem:s28+$0x12410] =	vst v5;
	v4 =	vld [tilespmem:s28+$0x6460]  }
.LBB2_3:
0x2f: {  	p1 =	sne.s32 s31, $0xFE00;
	v5 =	vld [tilespmem:s30+$0x6470];
	[tilespmem:s28+$0x12420] =	vst v2  }
0x30: {  	v6 =	vld [tilespmem:s30+$0x6400];
	[tilespmem:s28+$0x12430] =	vst v0  }
0x31: {  	v7 =	vld [tilespmem:s30+$0x6410];
	[tilespmem:s28+$0x12440] =	vst v1  }
.Ltmp2:
0x32: {  	v2 =	vld [tilespmem:s30+$0x6420];
	[tilespmem:s28+$0x12450] =	vst v3;
	(pc) =	sbr.rel @p1 .LBB2_3-.Ltmp2, $4  }
0x33: {  	v0 =	vld [tilespmem:s30+$0x6430];
	[tilespmem:s28+$0x12460] =	vst v4;
	s28 =	smov.u32 s30  }
0x34: {  	v1 =	vld [tilespmem:s28+$0x6440];
	[tilespmem:s28+$0x12470] =	vst v5  }
0x35: {  	[tilespmem:s28+$0x12400] =	vst v6;
	v3 =	vld [tilespmem:s28+$0x6450]  }
0x36: {  	s30 =	sshra.s32 s31, $0x2;
	s31 =	sadd.s32 $0x200, s31;
	[tilespmem:s28+$0x12410] =	vst v7;
	v4 =	vld [tilespmem:s28+$0x6460]  }
0x37: {  	v5 =	vld [tilespmem:s30+$0x6470];
	[tilespmem:s28+$0x12420] =	vst v2  }
0x38: {  	v2 =	vld [tilespmem:s30+$0x6400];
	[tilespmem:s28+$0x12430] =	vst v0  }
0x39: {  	v0 =	vld [tilespmem:s30+$0x6410];
	[tilespmem:s28+$0x12440] =	vst v1  }
0x3a: {  	v1 =	vld [tilespmem:s30+$0x6420];
	[tilespmem:s28+$0x12450] =	vst v3  }
0x3b: {  	v3 =	vld [tilespmem:s30+$0x6430];
	[tilespmem:s28+$0x12460] =	vst v4  }
0x3c: {  	v4 =	vld [tilespmem:s30+$0x6440];
	[tilespmem:s30+$0x12470] =	vst v5  }
0x3d: {  	v62 =	vld [tilespmem:s30+$0x6450];
	[tilespmem:s30+$0x12400] =	vst v2  }
0x3e: {  	v63 =	vld [tilespmem:s30+$0x6460];
	[tilespmem:s30+$0x12410] =	vst v0  }
0x3f: {  	p1 =	seq.s32 s26, $0x21;
	[tilespmem:s30+$0x12420] =	vst v1  }
.Ltmp3:
0x40: {  	[tilespmem:s30+$0x12430] =	vst v3;
	(pc) =	sbr.rel @p1 .LBB2_14-.Ltmp3, $4  }
0x41: {  	[tilespmem:s30+$0x12440] =	vst v4  }
0x42: {  	s1 =	sshll.u32 s29, $0x3;
	[tilespmem:s30+$0x12450] =	vst v62  }
0x43: {  	s1 =	sadd.s32 s2, s1;
	[tilespmem:s30+$0x12460] =	vst v63  }
0x44: {  	[hbm4b:s1+s3] =	stream.linear.scatter [tilespmem:s17], [sflag:$0x4], $0x4000, $0x38;
	[tilespmem:$0x1E400] =	vst v63  }
0x45: {  	s1 =	smul.u32 $0xC00, s26;
	_ =	sdelay $0x1  }
0x46: {  	s28 =	sshra.s32 s1, $0x2  }
0x47: {  	s1 =	sadd.s32 $0x300, s28  }
0x48: {  	[tilespmem:s12], [sflag:$0x1] =	stream.indirect.gather [hbm4b:s5+s11], $0x40, s1, s11, $0xb8;
	[tilespmem:$0x1E400] =	vst v63  }
0x49: {  	_ =	swait.ge [sflag:s21], $0x4000  }
0x4a: {  	[sflag:s21] =	ssyncset.done $0x0  }
0x4b: {  	s1 =	simm.s32 @!p0 $0x5;
	[sflag:s21] =	ssyncadd.s32 $0xFFFFC000  }
0x4c: {  	_ =	swait.ge @!p0 [sflag:s1], $0x4000  }
0x4d: {  	[sflag:s1] =	ssyncset.done @!p0 $0x0  }
0x4e: {  	s29 =	simm.s32 $0x0;
	[sflag:s1] =	ssyncadd.s32 @!p0 $0xFFFFC000  }
0x4f: {  	v3 =	vld [tilespmem:s29+$0xA470]  }
0x50: {  	v4 =	vld [tilespmem:s29+$0xA400]  }
0x51: {  	v5 =	vld [tilespmem:s29+$0xA410]  }
0x52: {  	v2 =	vld [tilespmem:s29+$0xA420]  }
0x53: {  	v0 =	vld [tilespmem:s29+$0xA430]  }
0x54: {  	v1 =	vld [tilespmem:s29+$0xA440];
	[tilespmem:s29+$0x16470] =	vst v3  }
0x55: {  	[tilespmem:s29+$0x16400] =	vst v4;
	v3 =	vld [tilespmem:s29+$0xA450]  }
0x56: {  	s30 =	simm.s32 $0x80;
	s31 =	simm.s32 $0x400;
	[tilespmem:s29+$0x16410] =	vst v5;
	v4 =	vld [tilespmem:s29+$0xA460]  }
.LBB2_6:
0x57: {  	p1 =	sne.s32 s31, $0xFE00;
	v5 =	vld [tilespmem:s30+$0xA470];
	[tilespmem:s29+$0x16420] =	vst v2  }
0x58: {  	v6 =	vld [tilespmem:s30+$0xA400];
	[tilespmem:s29+$0x16430] =	vst v0  }
0x59: {  	v7 =	vld [tilespmem:s30+$0xA410];
	[tilespmem:s29+$0x16440] =	vst v1  }
.Ltmp4:
0x5a: {  	v2 =	vld [tilespmem:s30+$0xA420];
	[tilespmem:s29+$0x16450] =	vst v3;
	(pc) =	sbr.rel @p1 .LBB2_6-.Ltmp4, $4  }
0x5b: {  	v0 =	vld [tilespmem:s30+$0xA430];
	[tilespmem:s29+$0x16460] =	vst v4;
	s29 =	smov.u32 s30  }
0x5c: {  	v1 =	vld [tilespmem:s29+$0xA440];
	[tilespmem:s29+$0x16470] =	vst v5  }
0x5d: {  	[tilespmem:s29+$0x16400] =	vst v6;
	v3 =	vld [tilespmem:s29+$0xA450]  }
0x5e: {  	s30 =	sshra.s32 s31, $0x2;
	s31 =	sadd.s32 $0x200, s31;
	[tilespmem:s29+$0x16410] =	vst v7;
	v4 =	vld [tilespmem:s29+$0xA460]  }
0x5f: {  	v5 =	vld [tilespmem:s30+$0xA470];
	[tilespmem:s29+$0x16420] =	vst v2  }
0x60: {  	v2 =	vld [tilespmem:s30+$0xA400];
	[tilespmem:s29+$0x16430] =	vst v0  }
0x61: {  	v0 =	vld [tilespmem:s30+$0xA410];
	[tilespmem:s29+$0x16440] =	vst v1  }
0x62: {  	v1 =	vld [tilespmem:s30+$0xA420];
	[tilespmem:s29+$0x16450] =	vst v3  }
0x63: {  	v3 =	vld [tilespmem:s30+$0xA430];
	[tilespmem:s29+$0x16460] =	vst v4  }
0x64: {  	v4 =	vld [tilespmem:s30+$0xA440];
	[tilespmem:s30+$0x16470] =	vst v5  }
0x65: {  	v62 =	vld [tilespmem:s30+$0xA450];
	[tilespmem:s30+$0x16400] =	vst v2  }
0x66: {  	v63 =	vld [tilespmem:s30+$0xA460];
	[tilespmem:s30+$0x16410] =	vst v0  }
0x67: {  	p1 =	slt.u32 s26, $0x20;
	s29 =	smul.u32 $0xC000, s26;
	[tilespmem:s30+$0x16420] =	vst v1  }
.Ltmp5:
0x68: {  	[tilespmem:s30+$0x16430] =	vst v3;
	(pc) =	sbr.rel @!p1 .LBB2_8-.Ltmp5, $4  }
0x69: {  	s1 =	sadd.s32 s29, s7;
	[tilespmem:s30+$0x16440] =	vst v4  }
0x6a: {  	s1 =	sshrl.u32 s1, $0x3;
	[tilespmem:s30+$0x16450] =	vst v62  }
0x6b: {  	s1 =	sadd.s32 s2, s1;
	[tilespmem:s30+$0x16460] =	vst v63  }
0x6c: {  	[hbm4b:s1+s3] =	stream.linear.scatter [tilespmem:s22], [sflag:$0x5], $0x4000, $0x38;
	[tilespmem:$0x1E400] =	vst v63  }
0x6d: {  	s1 =	sadd.s32 $0x400, s28  }
0x6e: {  	[tilespmem:s13], [sflag:$0x2] =	stream.indirect.gather [hbm4b:s5+s11], $0x40, s1, s11, $0xb8;
	[tilespmem:$0x1E400] =	vst v63  }
.Ltmp6:
0x6f: {  	_ = 	snop;
	(pc) =	sbr.rel @!p0 .LBB2_10-.Ltmp6, $4  }
.Ltmp7:
0x70: {  	_ = 	snop;
	(pc) =	sbr.rel @p0 .LBB2_11-.Ltmp7, $4  }
0x71: {  	_ =	swait.ge [sflag:s23], $0x4000  }
0x72: {  	[sflag:s23] =	ssyncset.done $0x0  }
0x73: {  	[sflag:s23] =	ssyncadd.s32 $0xFFFFC000  }
0x74: {  	_ = 	snop  }
.LBB2_8:
0x75: {  	_ =	swait.ge [sflag:s23], $0x4000  }
0x76: {  	[sflag:s23] =	ssyncset.done $0x0  }
0x77: {  	[sflag:s23] =	ssyncadd.s32 $0xFFFFC000  }
.LBB2_10:
0x78: {  	_ =	swait.ge [sflag:s20], $0x4000  }
0x79: {  	[sflag:s20] =	ssyncset.done $0x0  }
0x7a: {  	[sflag:s20] =	ssyncadd.s32 $0xFFFFC000  }
.LBB2_11:
0x7b: {  	s30 =	simm.s32 $0x0  }
0x7c: {  	v3 =	vld [tilespmem:s30+$0xE470]  }
0x7d: {  	v4 =	vld [tilespmem:s30+$0xE400]  }
0x7e: {  	v5 =	vld [tilespmem:s30+$0xE410]  }
0x7f: {  	v2 =	vld [tilespmem:s30+$0xE420]  }
0x80: {  	v0 =	vld [tilespmem:s30+$0xE430]  }
0x81: {  	v1 =	vld [tilespmem:s30+$0xE440];
	[tilespmem:s30+$0x1A470] =	vst v3  }
0x82: {  	[tilespmem:s30+$0x1A400] =	vst v4;
	v3 =	vld [tilespmem:s30+$0xE450]  }
0x83: {  	s31 =	simm.s32 $0x80;
	s1 =	simm.s32 $0x400;
	[tilespmem:s30+$0x1A410] =	vst v5;
	v4 =	vld [tilespmem:s30+$0xE460]  }
.LBB2_12:
0x84: {  	p0 =	sne.s32 s1, $0xFE00;
	v5 =	vld [tilespmem:s31+$0xE470];
	[tilespmem:s30+$0x1A420] =	vst v2  }
0x85: {  	v6 =	vld [tilespmem:s31+$0xE400];
	[tilespmem:s30+$0x1A430] =	vst v0  }
0x86: {  	v7 =	vld [tilespmem:s31+$0xE410];
	[tilespmem:s30+$0x1A440] =	vst v1  }
.Ltmp8:
0x87: {  	v2 =	vld [tilespmem:s31+$0xE420];
	[tilespmem:s30+$0x1A450] =	vst v3;
	(pc) =	sbr.rel @p0 .LBB2_12-.Ltmp8, $4  }
0x88: {  	v0 =	vld [tilespmem:s31+$0xE430];
	[tilespmem:s30+$0x1A460] =	vst v4;
	s30 =	smov.u32 s31  }
0x89: {  	v1 =	vld [tilespmem:s30+$0xE440];
	[tilespmem:s30+$0x1A470] =	vst v5  }
0x8a: {  	[tilespmem:s30+$0x1A400] =	vst v6;
	v3 =	vld [tilespmem:s30+$0xE450]  }
0x8b: {  	s31 =	sshra.s32 s1, $0x2;
	s1 =	sadd.s32 $0x200, s1;
	[tilespmem:s30+$0x1A410] =	vst v7;
	v4 =	vld [tilespmem:s30+$0xE460]  }
0x8c: {  	v5 =	vld [tilespmem:s31+$0xE470];
	[tilespmem:s30+$0x1A420] =	vst v2  }
0x8d: {  	v2 =	vld [tilespmem:s31+$0xE400];
	[tilespmem:s30+$0x1A430] =	vst v0  }
0x8e: {  	v0 =	vld [tilespmem:s31+$0xE410];
	[tilespmem:s30+$0x1A440] =	vst v1  }
0x8f: {  	v1 =	vld [tilespmem:s31+$0xE420];
	[tilespmem:s30+$0x1A450] =	vst v3  }
0x90: {  	v3 =	vld [tilespmem:s31+$0xE430];
	[tilespmem:s30+$0x1A460] =	vst v4  }
0x91: {  	v4 =	vld [tilespmem:s31+$0xE440];
	[tilespmem:s31+$0x1A470] =	vst v5  }
0x92: {  	v62 =	vld [tilespmem:s31+$0xE450];
	[tilespmem:s31+$0x1A400] =	vst v2  }
0x93: {  	v63 =	vld [tilespmem:s31+$0xE460];
	[tilespmem:s31+$0x1A410] =	vst v0  }
0x94: {  	[tilespmem:s31+$0x1A420] =	vst v1  }
0x95: {  	[tilespmem:s31+$0x1A430] =	vst v3  }
0x96: {  	s1 =	sadd.s32 s29, s8;
	[tilespmem:s31+$0x1A440] =	vst v4  }
0x97: {  	s1 =	sshrl.u32 s1, $0x3;
	[tilespmem:s31+$0x1A450] =	vst v62  }
0x98: {  	p0 =	sgt.u32 s26, $0x1F;
	s26 =	sadd.s32 $0x1, s26;
	s1 =	sadd.s32 s2, s1;
	[tilespmem:s31+$0x1A460] =	vst v63  }
0x99: {  	[hbm4b:s1+s3] =	stream.linear.scatter [tilespmem:s24], [sflag:$0x6], $0x4000, $0x38;
	[tilespmem:$0x1E400] =	vst v63  }
0x9a: {  	s29 =	simm.s32 @!p0 $0xE400;
	s1 =	sadd.s32 @!p0 $0x500, s28;
	s28 =	simm.s32 @!p0 $0x100  }
0x9b: {  	[tilespmem:s29], [sflag:$0x3] =	stream.indirect.gather @!p0 [hbm4b:s5+s28], $0x40, s1, s28, $0xb8;
	[tilespmem:$0x1E400] =	vst v63  }
0x9c: {  	p0 =	sne.s32 s26, $0x22  }
.Ltmp9:
0x9d: {  	_ = 	snop;
	(pc) =	sbr.rel @p0 .LBB2_2-.Ltmp9, $4  }
.Ltmp10:
0x9e: {  	_ = 	snop;
	(pc) =	sbr.rel @!p0 .LBB2_14-.Ltmp10, $4  }
0x9f: {  	_ = 	snop  }
0xa0: {  	_ = 	snop  }
0xa1: {  	_ = 	snop  }
0xa2: {  	_ = 	snop  }
.LBB2_15:
0xa3: {  	_ =	sfence.sel $0x180000  }
0xa4: {  	[bflag:$0x0] =	sbarrier.arrive $0xFFFF  }
0xa5: {  	_ =	strace $0x90000047  }
0xa6: {  	[bflag:$0x2] =	sbarrier.arrive $0xFFFF  }
0xa7: {  	p0 =	sne.s32 s0, $0x0;
	s0 =	rddreg [dreg:$0x2]  }
0xa8: {  	s0 =	sadd.s32 @!p0 $0x100000, s0  }
0xa9: {  	[sflag:s0] =	ssyncadd.tile.s32 @!p0 $0x1;
	_ =	shalt  }
.Lfunc_end2:
_tile_overlayer_lowered:
.L_overlay_start_2:
0xaa: {  	(tag) =	ssettag $0x2  }
0xab: {  	s0 =	rddreg [dreg:$0x0];
	s2 =	stileid.u32  }
0xac: {  	s1 =	rddreg [dreg:$0x1];
	p0 =	sne.s32 s2, $0x0  }
0xad: {  	s3 =	rddreg [dreg:$0x2];
	[bflag:$0x3] =	sbarrier.arrive $0xFFFF;
	s2 =	simm.s32 @!p0 $0x1C07  }
0xae: {  	[timem:s3], [sflag:s2] =	dma.local @!p0 [hbm:s0], s1  }
0xaf: {  	s0 =	simm.s32 @!p0 $0x7  }
0xb0: {  	_ =	swait.ge @!p0 [sflag:s0], s1  }
0xb1: {  	s1 =	ssub.s32 @!p0 $0x0, s1;
	[sflag:s0] =	ssyncset.done @!p0 $0x0  }
0xb2: {  	[sflag:s0] =	ssyncadd.s32 @!p0 s1  }
0xb3: {  	[bflag:$0x3] =	sbarrier.arrive $0xFFFF  }
0xb4: {  	_ =	shalt  }

// kernel: sparse-core-data-format-call.cloned.1.call-start
scs
called_computation_lowered:
.L_overlay_start_0:
0x0: {  	s2 =	sld [smem:$0x3FD9]  }
0x1: {  	s3 =	sld [smem:$0x3FFE];
	_ =	sdelay $0x1  }
0x2: {  	s1 =	srdreg.scid  }
0x3: {  	s0 =	sand.u32 $0x1, s1  }
0x4: {  	s18 =	sshll.u32 s0, $0xA;
	s2 =	sadd.s32 s3, s2  }
0x5: {  	s2 =	sadd.s32 s2, s18  }
0x6: {  	[smem:$0x3FC6] =	sst s2  }
0x7: {  	_ = 	snop  }
0x8: {  	s2 =	sld [smem:$0x3FD0];
	(tm) =	ssettm $0x1  }
0x9: {  	s19 =	sld [smem:$0x3FFB];
	_ =	sdelay $0x3  }
0xa: {  	_ =	strace s19  }
0xb: {  	s3 =	sld [smem:$0x3FFC];
	_ =	sdelay $0x3  }
0xc: {  	_ =	strace s3  }
0xd: {  	s3 =	sld [smem:$0x3FFD];
	_ =	sdelay $0x3  }
0xe: {  	_ =	strace s3  }
0xf: {  	_ =	strace $0x8FFFFFFF  }
0x10: {  	s20 =	sld [smem:$0x3FDB];
	_ =	sdelay $0x1  }
0x11: {  	s4 =	simm.s32 $_scs_section_size  }
0x12: {  	s5 =	simm.s32 $_size__tile_overlayer_lowered;
	s6 =	simm.s32 $_tile_overlayer_lowered  }
0x13: {  	s23 =	simm.s32 $0x1BFF;
	s22 =	sshll.u32 s6, $0x1;
	s3 =	sadd.s32 s4, s20  }
0x14: {  	s7 =	simm.s32 $0x0;
	s21 =	sshll.u32 s5, $0x1;
	s5 =	sadd.s32 s22, s3  }
0x15: {  	[timem:s7], [sflag:s23] =	dma.local [hbm:s5], s21  }
0x16: {  	_ =	swait.ge [sflag:s23], s21  }
0x17: {  	s4 =	ssub.s32 $0x0, s21;
	[sflag:s23] =	ssyncset.done $0x0  }
0x18: {  	[sflag:s23] =	ssyncadd.s32 s4;
	_ =	sdelay $0x1  }
0x19: {  	s24 =	simm.s32 $0x1B8B  }
0x1a: {  	_ =	swait.ge [sflag:s24], $0x1  }
0x1b: {  	[sflag:s24] =	ssyncset.done $0x0  }
0x1c: {  	s26 =	simm.s32 $0x1B8E;
	s25 =	sld [smem:$0x3FFE];
	[sflag:s24] =	ssyncadd.s32 $0xFFFFFFFF  }
0x1d: {  	s27 =	simm.s32 $execute0_lowered;
	[smem:$0x3FD2] =	sst s26  }
0x1e: {  	s5 =	sshll.u32 s27, $0x1;
	_ =	strace $0x80000049;
	[dreg:$0x1] =	wrdreg $0xFFFFFFFF  }
0x1f: {  	s28 =	simm.s32 $_size_execute0_lowered;
	s3 =	sadd.s32 s3, s5;
	[dreg:$0x0] =	wrdreg $0x0  }
0x20: {  	s5 =	sshll.u32 s28, $0x1;
	[dreg:$0x2] =	wrdreg s3  }
0x21: {  	[dreg:$0x3] =	wrdreg s5  }
0x22: {  	[dreg:$0x4] =	wrdreg $0xC0  }
0x23: {  	_ =	task [dreg:s7], $0x5FFFF  }
0x24: {  	[dreg:$0x1] =	wrdreg $0xFFFFFFFF  }
0x25: {  	[dreg:$0x0] =	wrdreg $0x60  }
0x26: {  	[dreg:$0x2] =	wrdreg s25  }
0x27: {  	[dreg:$0x3] =	wrdreg s2  }
0x28: {  	[dreg:$0x4] =	wrdreg $0x9  }
0x29: {  	_ =	task.clear_ibuf [dreg:s7], $0x5FFFF;
	_ =	strace $0x90000049  }
0x2a: {  	s29 =	simm.s32 $0x9;
	_ =	strace $0x8000004B  }
0x2b: {  	_ =	swait.ge [sflag:s29], $0x1  }
0x2c: {  	[sflag:s29] =	ssyncadd.s32 $0xFFFFFFFF  }
0x2d: {  	_ =	strace $0x9000004B  }
0x2e: {  	_ =	sfence  }
0x2f: {  	s30 =	sld [smem:$0x0];
	_ =	sdelay $0x2  }
0x30: {  	s31 =	sshll.u32 s1, $0xD;
	s1 =	sshrl.u32 s1, $0x2  }
0x31: {  	s3 =	sand.u32 $0x4000, s31;
	s1 =	sadd.s32 s1, s30  }
0x32: {  	s0 =	sor.u32 s3, s0;
	s1 =	sshll.u32 s1, $0x11  }
0x33: {  	s0 =	sor.u32 s1, s0  }
0x34: {  	s0 =	sadd.s32 $0x8F2B, s0  }
0x35: {  	[sflag:s0] =	ssyncadd.remote.s32 $0x1  }
0x36: {  	_ =	sfence.sel $0xFFFF  }
0x37: {  	[dreg:$0x0] =	wrdreg $0xFFFFFFFF;
	(pc) =	sbr.abs _section_cstart, $3  }
0x38: {  	[dreg:$0x1] =	wrdreg $0xFFFFFFFF  }
0x39: {  	_ =	task.clear_ibuf [dreg:s7], $0x2FFFF;
	_ =	strace $0x9FFFFFFF  }
0x3a: {  	(tm) =	ssettm $0x7FFFFFFF  }
0x3b: {  	_ =	shalt  }
tec
execute0_lowered:
.L_overlay_start_1:
0x0: {  	(tag) =	ssettag $0x1  }
0x1: {  	s0 =	srdreg.scid  }
0x2: {  	s1 =	sshll.u32 s0, $0x4  }
0x3: {  	s0 =	stileid.u32;
	s1 =	sand.u32 $0x10, s1  }
0x4: {  	s1 =	sor.u32 s0, s1  }
0x5: {  	s6 =	rddreg [dreg:$0x0];
	s4 =	simm.s32 $0x1;
	s2 =	sshll.u32 s1, $0x7  }
0x6: {  	s7 =	simm.s32 $0x2;
	s12 =	simm.s32 $0x0;
	s1 =	ssub.s32 $0x4000, s2  }
0x7: {  	s8 =	simm.s32 $0x20000;
	s13 =	simm.s32 $0x0;
	s3 =	sand.u32 $0xF80, s1  }
0x8: {  	s9 =	simm.s32 $0x0;
	s5 =	sshrl.u32 s1, $0xC;
	p0 =	sne.s32 s3, $0x0  }
.Ltmp0:
0x9: {  	s1 =	rddreg [dreg:$0x2];
	s4 =	simm.s32 @!p0 $0x0;
	(pc) =	sbr.rel .LBB1_1-.Ltmp0, $4  }
0xa: {  	s11 =	simm.s32 $0x0;
	s3 =	rddreg [dreg:$0x1];
	s5 =	sadd.s32 s4, s5  }
0xb: {  	_ =	strace $0x8000004A;
	s4 =	simm.s32 $0x1;
	s5 =	smul.u32 $0x32, s5  }
0xc: {  	s6 =	sadd.s32 $0xA00, s6;
	s10 =	smov.u32 s2;
	[sflag:s4] =	ssyncpa.u1 $0x0  }
0xd: {  	p0 =	por $0x0, $0x0;
	[sflag:s7] =	ssyncpa.u1 $0x0;
	s7 =	sor.u32 $0x1, s5  }
.LBB1_4:
0xe: {  	s16 =	sshll.u32 s13, $0x3;
	s17 =	sand.u32 $0x78, s13  }
0xf: {  	s30 =	sand.u32 $0x1F800, s13;
	s12 =	sshll.u32 s12, $0x11;
	s16 =	sand.u32 $0x3C00, s16  }
0x10: {  	[tilespmem:s15+$0x810 ss:$0x81] =	vst.msk $0xffff, v2;
	s31 =	sand.u32 $0x7, s13;
	s16 =	sor.u32 s17, s16;
	s17 =	sadd.s32 s3, s30  }
0x11: {  	[tilespmem:s15+$0x1020 ss:$0x81] =	vst.msk $0xffff, v0;
	s13 =	sshll.u32 s31, $0x12;
	s12 =	sadd.s32 s12, s17;
	s16 =	sshrl.u32 s16, $0x3  }
0x12: {  	[tilespmem:s15+$0x0 ss:$0x81] =	vst.msk $0xffff, v1;
	s13 =	sor.u32 $0x400, s13;
	s12 =	sadd.s32 s16, s12  }
0x13: {  	[hbm4b:s12+s13] =	stream.strided.scatter [tilespmem:s14], [sflag:$0x2], $0x2000, s8, s13, $0x20;
	[tilespmem:$0x8080] =	vst v63  }
.LBB1_5:
0x14: {  	s14 =	sadd.s32 $0x1, s9  }
0x15: {  	s12 =	sadd.s32 $0x1000, s10;
	s16 =	smov.u32 s10;
	p2 =	sgt.s32 s14, $0x31  }
0x16: {  	s16 =	smov.u32 @p2 s12  }
0x17: {  	s14 =	simm.s32 @p2 $0x0;
	p2 =	sgt.s32 s16, $0x3FFF  }
0x18: {  	s16 =	smov.u32 @p2 s2;
	p2 =	sne.s32 s11, s7  }
.Ltmp1:
0x19: {  	p1 =	slt.u32 s11, $0x2;
	(pc) =	sbr.rel @!p2 .LBB1_6-.Ltmp1, $4  }
0x1a: {  	s15 =	simm.s32 @!p1 $0x2  }
0x1b: {  	s13 =	smov.u32 s10;
	p0 =	por !p0, !p0;
	_ =	swait.ge @!p1 [sflag:s15], $0x2000  }
0x1c: {  	s12 =	smov.u32 s9;
	[sflag:s15] =	ssyncset.done @!p1 $0x0;
	s9 =	smov.u32 s14  }
0x1d: {  	s11 =	sadd.s32 $0x1, s11;
	[sflag:s15] =	ssyncadd.s32 @!p1 $0xFFFFE000;
	s10 =	smov.u32 s16  }
.LBB1_1:
0x1e: {  	p1 =	sge.u32 s11, s5  }
0x1f: {  	s14 =	sand.u32 @!p1 $0x1FFFFFF, s9  }
0x20: {  	s15 =	smulhi.u32 @!p1 $0x4924925, s14;
	_ =	sdelay $0x1  }
0x21: {  	s15 =	smul.u32 @!p1 $0x38, s15  }
0x22: {  	s16 =	sxor.u32 @!p1 $0xFFFFFFFF, s11;
	s17 =	smul.u32 @!p1 $0x380, s10  }
0x23: {  	s31 =	sadd.s32 $0xFFFFFFFF, s11;
	s16 =	sshll.u32 @!p1 s16, $0xD;
	s14 =	ssub.s32 @!p1 s14, s15  }
0x24: {  	s15 =	sand.u32 @!p1 $0x2000, s16;
	s16 =	sadd.s32 @!p1 s6, s17;
	s14 =	sshll.u32 @!p1 s14, $0x4  }
0x25: {  	s17 =	simm.s32 @!p1 $0x1C00;
	s14 =	sadd.s32 @!p1 s14, s16;
	s16 =	simm.s32 @!p1 $0x40  }
0x26: {  	[tilespmem:s15], [sflag:$0x1] =	stream.strided.gather @!p1 [hbm4b:s14+s16], $0x2000, s17, s16, $0x38;
	[tilespmem:$0x8080] =	vst v63  }
0x27: {  	p1 =	sge.u32 s31, s5  }
.Ltmp2:
0x28: {  	_ = 	snop;
	(pc) =	sbr.rel @p1 .LBB1_5-.Ltmp2, $1  }
0x29: {  	_ =	sdelay $0x3  }
0x2a: {  	s14 =	simm.s32 $0x1  }
0x2b: {  	_ =	swait.ge [sflag:s4], $0x2000;
	s14 =	simm.s32 @!p0 $0x0  }
0x2c: {  	[sflag:s4] =	ssyncset.done $0x0;
	s15 =	sshll.u32 s14, $0xD  }
0x2d: {  	[sflag:s4] =	ssyncadd.s32 $0xFFFFE000;
	s18 =	sor.u32 $0x20, s15  }
0x2e: {  	s14 =	smul.u32 $0x8100, s14;
	v3 =	vld [tilespmem:s18+$0x10]  }
0x2f: {  	s30 =	sand.u32 $0x1, s11;
	v2 =	vld [tilespmem:s18+$0xFFFFFFF0]  }
0x30: {  	s15 =	smul.u32 $0x8100, s30;
	s14 =	sshrl.u32 s14, $0x2;
	v0 =	vld [tilespmem:s18+$0x0]  }
0x31: {  	v1 =	vld [tilespmem:s18+$0xFFFFFFE0];
	s16 =	sor.u32 $0x4000, s14  }
0x32: {  	s31 =	sshrl.u32 s15, $0x2;
	s15 =	sadd.s32 $0x0, s16  }
0x33: {  	s17 =	simm.s32 $0x4;
	s18 =	sadd.s32 $0x40, s18;
	s14 =	sor.u32 $0x4000, s31;
	[tilespmem:s15+$0x1830 ss:$0x81] =	vst.msk $0xffff, v3  }
.LBB1_3:
0x34: {  	v3 =	vld [tilespmem:s18+$0x10];
	p1 =	sne.s32 s17, $0x1FC;
	[tilespmem:s15+$0x810 ss:$0x81] =	vst.msk $0xffff, v2;
	s19 =	smov.u32 s17;
	s17 =	sadd.s32 $0x4, s17  }
.Ltmp3:
0x35: {  	v2 =	vld [tilespmem:s18+$0xFFFFFFF0];
	[tilespmem:s15+$0x1020 ss:$0x81] =	vst.msk $0xffff, v0;
	(pc) =	sbr.rel @p1 .LBB1_3-.Ltmp3, $4  }
0x36: {  	v0 =	vld [tilespmem:s18+$0x0];
	[tilespmem:s15+$0x0 ss:$0x81] =	vst.msk $0xffff, v1  }
0x37: {  	s15 =	sshra.s32 s19, $0x2;
	v1 =	vld [tilespmem:s18+$0xFFFFFFE0]  }
0x38: {  	s15 =	sadd.s32 s15, s16  }
0x39: {  	s18 =	sadd.s32 $0x40, s18;
	[tilespmem:s15+$0x1830 ss:$0x81] =	vst.msk $0xffff, v3  }
.Ltmp4:
0x3a: {  	_ = 	snop;
	(pc) =	sbr.rel .LBB1_4-.Ltmp4, $1  }
0x3b: {  	_ =	sdelay $0x3  }
.LBB1_6:
0x3c: {  	_ =	sfence.sel $0x180000  }
0x3d: {  	s2 =	simm.s32 $0x1;
	[bflag:$0x0] =	sbarrier.arrive $0xFFFF  }
0x3e: {  	s31 =	simm.s32 $0x2;
	[sflag:s2] =	ssyncpa.u1 $0x1  }
0x3f: {  	[sflag:s31] =	ssyncpa.u1 $0x1  }
0x40: {  	p0 =	sne.s32 s0, $0x0;
	_ =	strace $0x9000004A  }
0x41: {  	s0 =	sadd.s32 @!p0 $0x100000, s1;
	[bflag:$0x2] =	sbarrier.arrive $0xFFFF  }
0x42: {  	[sflag:s0] =	ssyncadd.tile.s32 @!p0 $0x1;
	_ =	shalt  }
.Lfunc_end1:
_tile_overlayer_lowered:
.L_overlay_start_2:
0x43: {  	(tag) =	ssettag $0x2  }
0x44: {  	s0 =	rddreg [dreg:$0x0];
	s2 =	stileid.u32  }
0x45: {  	s1 =	rddreg [dreg:$0x1];
	p0 =	sne.s32 s2, $0x0  }
0x46: {  	s3 =	rddreg [dreg:$0x2];
	[bflag:$0x3] =	sbarrier.arrive $0xFFFF;
	s2 =	simm.s32 @!p0 $0x1C01  }
0x47: {  	[timem:s3], [sflag:s2] =	dma.local @!p0 [hbm:s0], s1  }
0x48: {  	s0 =	simm.s32 @!p0 $0x1  }
0x49: {  	_ =	swait.ge @!p0 [sflag:s0], s1  }
0x4a: {  	s1 =	ssub.s32 @!p0 $0x0, s1;
	[sflag:s0] =	ssyncset.done @!p0 $0x0  }
0x4b: {  	[sflag:s0] =	ssyncadd.s32 @!p0 s1  }
0x4c: {  	[bflag:$0x3] =	sbarrier.arrive $0xFFFF  }
0x4d: {  	_ =	shalt  }

</sc_bundles>
